<compile_context>
chip_gen: v7x
topology: tpu7x:2x2x1
jax: 0.10.2.dev20260603
libtpu: 0.0.44.dev20260713+nightly
codegen_flags: <defaults>
</compile_context>

<pallas_src>
import jax
import jax.numpy as jnp
from jax import lax
from jax.experimental import pallas as pl
from jax.experimental.pallas import tpu as pltpu
from jax.experimental.pallas import tpu_sc as plsc

_N = 10000
_E = 320000
_FCAT = 96
_NTILES = 32
_EPT = _E // _NTILES
_FPT = _FCAT // _NTILES
_CHUNK = 10000
_L = 16


def _tile_id():
    return lax.axis_index("s") * 2 + lax.axis_index("c")


def _zero_vmem(ref, nwords):
    z = jnp.zeros((_L,), ref.dtype)

    @plsc.parallel_loop(0, nwords // _L, unroll=8)
    def _(i):
        ref[pl.ds(i * _L, _L)] = z


def _deg_body(g_hbm, ew_hbm, out_hbm, col_v, ew_v, deg_v):
    wid = _tile_id()
    base = wid * _EPT
    pltpu.sync_copy(g_hbm.at[pl.ds(_E + base, _EPT)], col_v)
    pltpu.sync_copy(ew_hbm.at[pl.ds(base, _EPT)], ew_v)
    _zero_vmem(deg_v, _N)

    @plsc.parallel_loop(0, _EPT // _L, unroll=8)
    def _(i):
        c16 = col_v[pl.ds(i * _L, _L)]
        w16 = ew_v[pl.ds(i * _L, _L)]
        plsc.addupdate_scatter(deg_v, [c16], w16)
    pltpu.sync_copy(deg_v, out_hbm.at[wid])


def _accum_body(g_hbm, ew_hbm, yzr_hbm, yh_hbm, out_hbm,
                y_v, acc_v, row_v0, col_v0, ew_v0, row_v1, col_v1, ew_v1, sem):
    wid = _tile_id()
    fbase = wid * _N
    nch = _E // _CHUNK
    bufs = ((row_v0, col_v0, ew_v0), (row_v1, col_v1, ew_v1))

    def issue(ci, b):
        cbase = ci * _CHUNK
        rv, cv, wv = bufs[b]
        pltpu.async_copy(g_hbm.at[pl.ds(cbase, _CHUNK)], rv, sem.at[b])
        pltpu.async_copy(g_hbm.at[pl.ds(_E + cbase, _CHUNK)], cv, sem.at[b])
        pltpu.async_copy(ew_hbm.at[pl.ds(cbase, _CHUNK)], wv, sem.at[b])

    def drain(ci, b):
        cbase = ci * _CHUNK
        rv, cv, wv = bufs[b]
        pltpu.make_async_copy(g_hbm.at[pl.ds(cbase, _CHUNK)], rv,
                              sem.at[b]).wait()
        pltpu.make_async_copy(g_hbm.at[pl.ds(_E + cbase, _CHUNK)], cv,
                              sem.at[b]).wait()
        pltpu.make_async_copy(ew_hbm.at[pl.ds(cbase, _CHUNK)], wv,
                              sem.at[b]).wait()

    issue(0, 0)
    pltpu.sync_copy(yzr_hbm.at[pl.ds(fbase, _N)], y_v.at[pl.ds(0, _N)])
    pltpu.sync_copy(yh_hbm.at[pl.ds(fbase, _N)], y_v.at[pl.ds(_N, _N)])
    _zero_vmem(acc_v, 3 * _N)

    def outer(cc, carry):
        for b in range(2):
            ci = cc + b
            drain(ci, b)

            @pl.when(ci + 1 < nch)
            def _():
                issue(ci + 1, (b + 1) % 2)

            rv, cv, wv = bufs[b]

            @plsc.parallel_loop(0, _CHUNK // _L, unroll=8)
            def _(i):
                r16 = rv[pl.ds(i * _L, _L)]
                c16 = cv[pl.ds(i * _L, _L)]
                w16 = wv[pl.ds(i * _L, _L)]
                pzr = plsc.load_gather(y_v, [r16])
                vz, vr = plsc.unpack(
                    plsc.bitcast(pzr, jnp.bfloat16),
                    format=plsc.PackFormat.INTERLEAVED,
                    preferred_element_type=jnp.float32)
                vh = plsc.load_gather(y_v, [r16 + _N])
                plsc.addupdate_scatter(acc_v, [c16], vz * w16)
                plsc.addupdate_scatter(acc_v, [c16 + _N], vr * w16)
                plsc.addupdate_scatter(acc_v, [c16 + 2 * _N], vh * w16)

        return carry

    lax.fori_loop(0, nch // 2, lambda j, c: outer(j * 2, c), None)
    for f in range(3):
        pltpu.sync_copy(acc_v.at[pl.ds(f * _N, _N)],
                        out_hbm.at[pl.ds((f * _NTILES + wid) * _N, _N)])


def _dense1_body(degp_ref, wz_ref, wr_ref, wh_ref, x_ref,
                 yzr_ref, yh_ref, dinv_ref):
    deg = jnp.sum(degp_ref[...], axis=0, keepdims=True)
    pos = deg > 0.0
    dinv = jnp.where(pos, lax.rsqrt(jnp.where(pos, deg, 1.0)), 0.0)
    dinv_ref[...] = dinv
    x = x_ref[...]

    def xwt(w_ref):
        out = lax.dot_general(w_ref[...], x, (((0,), (1,)), ((), ())),
                              preferred_element_type=jnp.float32)
        return out * dinv

    def halfbits(v):
        return lax.bitcast_convert_type(
            v.astype(jnp.bfloat16), jnp.uint16).astype(jnp.uint32)

    packed = halfbits(xwt(wz_ref)) | (halfbits(xwt(wr_ref)) << 16)
    yzr_ref[...] = lax.bitcast_convert_type(packed, jnp.float32)
    yh_ref[...] = xwt(wh_ref)


def _dense2_body(convT_ref, dinv_ref, hT_ref,
                 azT, bzT, arT, brT, ahT, bhT,
                 bcz, bcr, bch, blz, blr, blh,
                 woT, bout, hnT_ref, yT_ref):
    dinv = dinv_ref[...]
    hT = hT_ref[...]
    czT = convT_ref[0:32, :] * dinv + bcz[...]
    crT = convT_ref[32:64, :] * dinv + bcr[...]
    chT = convT_ref[64:96, :] * dinv + bch[...]
    zT = jax.nn.sigmoid(azT[...] @ czT + bzT[...] @ hT + blz[...])
    rT = jax.nn.sigmoid(arT[...] @ crT + brT[...] @ hT + blr[...])
    htT = jnp.tanh(ahT[...] @ chT + bhT[...] @ (hT * rT) + blh[...])
    hnT = zT * hT + (1.0 - zT) * htT
    hnT_ref[...] = hnT
    yT_ref[...] = woT[...] @ jnp.maximum(hnT, 0.0) + bout[...]


def kernel(g, node_feat, edge_weight, hidden_state,
           W_conv_z, b_conv_z, W_lin_z, b_lin_z,
           W_conv_r, b_conv_r, W_lin_r, b_lin_r,
           W_conv_h, b_conv_h, W_lin_h, b_lin_h,
           W_out, b_out):
    g32 = g.astype(jnp.int32).reshape(-1)
    ew = edge_weight.astype(jnp.float32)

    mesh = plsc.VectorSubcoreMesh(core_axis_name="c", subcore_axis_name="s")
    sc_params = pltpu.CompilerParams(needs_layout_passes=False)

    deg_parts = pl.kernel(
        _deg_body,
        out_type=jax.ShapeDtypeStruct((_NTILES, _N), jnp.float32),
        mesh=mesh,
        compiler_params=sc_params,
        scratch_types=[
            pltpu.VMEM((_EPT,), jnp.int32),
            pltpu.VMEM((_EPT,), jnp.float32),
            pltpu.VMEM((_N,), jnp.float32),
        ],
    )(g32, ew)

    yzr, yh, dinv = pl.pallas_call(
        _dense1_body,
        out_shape=(
            jax.ShapeDtypeStruct((_NTILES, _N), jnp.float32),
            jax.ShapeDtypeStruct((_NTILES, _N), jnp.float32),
            jax.ShapeDtypeStruct((1, _N), jnp.float32),
        ),
    )(deg_parts, W_conv_z, W_conv_r, W_conv_h, node_feat)

    convT_flat = pl.kernel(
        _accum_body,
        out_type=jax.ShapeDtypeStruct((_FCAT * _N,), jnp.float32),
        mesh=mesh,
        compiler_params=sc_params,
        scratch_types=[
            pltpu.VMEM((2 * _N,), jnp.float32),
            pltpu.VMEM((3 * _N,), jnp.float32),
            pltpu.VMEM((_CHUNK,), jnp.int32),
            pltpu.VMEM((_CHUNK,), jnp.int32),
            pltpu.VMEM((_CHUNK,), jnp.float32),
            pltpu.VMEM((_CHUNK,), jnp.int32),
            pltpu.VMEM((_CHUNK,), jnp.int32),
            pltpu.VMEM((_CHUNK,), jnp.float32),
            pltpu.SemaphoreType.DMA((2,)),
        ],
    )(g32, ew, yzr.reshape(-1), yh.reshape(-1))

    hnT, yT = pl.pallas_call(
        _dense2_body,
        out_shape=(
            jax.ShapeDtypeStruct((32, _N), jnp.float32),
            jax.ShapeDtypeStruct((1, _N), jnp.float32),
        ),
    )(
        convT_flat.reshape(_FCAT, _N), dinv, hidden_state.T,
        W_lin_z[:32].T, W_lin_z[32:].T,
        W_lin_r[:32].T, W_lin_r[32:].T,
        W_lin_h[:32].T, W_lin_h[32:].T,
        b_conv_z.reshape(32, 1), b_conv_r.reshape(32, 1), b_conv_h.reshape(32, 1),
        b_lin_z.reshape(32, 1), b_lin_r.reshape(32, 1), b_lin_h.reshape(32, 1),
        W_out.T, b_out.reshape(1, 1),
    )

    return (yT.T, hnT.T)

# --- scband reference (transcript-rebuilt; emitter-appended) ---
"""Pipeline reference for scband-eng-py-gt-tgcn-78589311582430 (READ-ONLY COPY).

The authoritative reference and input builder live on the scoring server;
editing this copy changes nothing except your own understanding.
"""

import jax, jax.numpy as jnp
import numpy as np

N = 10000
E = 320000
F_IN = 128
F_OUT = 32


def setup_inputs(seed: int = 0) -> dict:
    key = jax.random.key(seed)
    ks = jax.random.split(key, 16)
    inp = {}
    inp["g"] = jax.random.randint(ks[0], (2, E), 0, N, dtype=jnp.int64) if jax.config.jax_enable_x64 else jax.random.randint(ks[0], (2, E), 0, N).astype(jnp.int32)
    inp["node_feat"] = jax.random.normal(ks[1], (N, F_IN), dtype=jnp.float32)
    inp["edge_weight"] = jax.random.uniform(ks[2], (E,), dtype=jnp.float32)
    inp["hidden_state"] = jax.random.normal(ks[3], (N, F_OUT), dtype=jnp.float32)
    i = 4
    for name in ["z", "r", "h"]:
        inp[f"W_conv_{name}"] = jax.random.normal(ks[i], (F_IN, F_OUT), dtype=jnp.float32) * 0.05; i += 1
        inp[f"b_conv_{name}"] = jnp.zeros((F_OUT,), dtype=jnp.float32)
        inp[f"W_lin_{name}"] = jax.random.normal(ks[i], (2 * F_OUT, F_OUT), dtype=jnp.float32) * 0.05; i += 1
        inp[f"b_lin_{name}"] = jnp.zeros((F_OUT,), dtype=jnp.float32)
    inp["W_out"] = jax.random.normal(ks[i], (F_OUT, 1), dtype=jnp.float32) * 0.05
    inp["b_out"] = jnp.zeros((1,), dtype=jnp.float32)
    return inp


def _gcn_conv(x, edge_index, edge_weight, W, b, n):
    # GCNConv with add_self_loops=False, normalize=True
    row, col = edge_index[0], edge_index[1]
    deg = jnp.zeros((n,), x.dtype).at[col].add(edge_weight)
    safe_deg = jnp.where(deg > 0, deg, 1.0)
    dinv = jnp.where(deg > 0, 1.0 / jnp.sqrt(safe_deg), 0.0)
    norm = dinv[row] * edge_weight * dinv[col]
    xw = x @ W
    out = jnp.zeros((n, W.shape[1]), x.dtype).at[col].add(norm[:, None] * xw[row])
    return out + b


def reference(g, node_feat, edge_weight, hidden_state,
              W_conv_z, b_conv_z, W_lin_z, b_lin_z,
              W_conv_r, b_conv_r, W_lin_r, b_lin_r,
              W_conv_h, b_conv_h, W_lin_h, b_lin_h,
              W_out, b_out):
    n = node_feat.shape[0]
    H = hidden_state
    Z = jax.nn.sigmoid(
        jnp.concatenate([_gcn_conv(node_feat, g, edge_weight, W_conv_z, b_conv_z, n), H], axis=1) @ W_lin_z + b_lin_z)
    R = jax.nn.sigmoid(
        jnp.concatenate([_gcn_conv(node_feat, g, edge_weight, W_conv_r, b_conv_r, n), H], axis=1) @ W_lin_r + b_lin_r)
    H_tilde = jnp.tanh(
        jnp.concatenate([_gcn_conv(node_feat, g, edge_weight, W_conv_h, b_conv_h, n), H * R], axis=1) @ W_lin_h + b_lin_h)
    H_new = Z * H + (1.0 - Z) * H_tilde
    y = jax.nn.relu(H_new) @ W_out + b_out
    return (y, H_new)

if __name__ == "__main__":
    import jax
    _d = setup_inputs()
    print(jax.jit(kernel)(*tuple(_d.values())))

</pallas_src>

<mosaic_0001>
#map = affine_map<(d0, d1) -> (0)>
#map1 = affine_map<(d0, d1) -> (0, 0)>
module attributes {stable_mosaic.version = 14 : i64} {
  func.func @_deg_body(%arg0: i32, %arg1: i32, %arg2: memref<640000xi32, #tpu.memory_space<hbm>>, %arg3: memref<320000xf32, #tpu.memory_space<hbm>>, %arg4: memref<32x10000xf32, #tpu.memory_space<hbm>>, %arg5: memref<10000xi32, #tpu.memory_space<vmem>>, %arg6: memref<10000xf32, #tpu.memory_space<vmem>>, %arg7: memref<10000xf32, #tpu.memory_space<vmem>>) attributes {dimension_semantics = [#tpu.dimension_semantics<core_parallel>, #tpu.dimension_semantics<subcore_parallel>], iteration_bounds = array<i64: 2, 16>, scalar_prefetch = 0 : i64, scratch_operands = 3 : i64, tpu.core_type = #tpu.core_type<sc_vector_subcore>, window_params = [{transform_indices = #map}, {transform_indices = #map}, {transform_indices = #map1}]} {
    %mul3A = arith.constant 2 : i32
    %mul3A_0 = arith.muli %arg1, %mul3A : i32
    %add3A = arith.addi %mul3A_0, %arg0 : i32
    %mul3A_1 = arith.constant 10000 : i32
    %mul3A_2 = arith.muli %add3A, %mul3A_1 : i32
    %add3A_3 = arith.constant 320000 : i32
    %add3A_4 = arith.addi %add3A_3, %mul3A_2 : i32
    "tpu.region"() ({
      %run_scoped3A = tpu.sem_alloc : memref<!tpu.dma_semaphore, #tpu.memory_space<semaphore_mem>>
      %dma_start3A = tpu.memref_slice %arg2[%add3A_4] : memref<640000xi32, #tpu.memory_space<hbm>> -> memref<10000xi32, #tpu.memory_space<hbm>>
      %dma_start3A_11 = tpu.memref_slice %arg2[%add3A_4] : memref<640000xi32, #tpu.memory_space<hbm>> -> memref<10000xi32, #tpu.memory_space<hbm>>
      tpu.enqueue_dma source(%dma_start3A_11 : memref<10000xi32, #tpu.memory_space<hbm>>) target(%arg5 : memref<10000xi32, #tpu.memory_space<vmem>>) target_semaphore(%run_scoped3A : memref<!tpu.dma_semaphore, #tpu.memory_space<semaphore_mem>>)
      %dma_wait3A = tpu.memref_slice %arg2[%add3A_4] : memref<640000xi32, #tpu.memory_space<hbm>> -> memref<10000xi32, #tpu.memory_space<hbm>>
      %dma_wait3A_12 = tpu.memref_slice %arg2[%add3A_4] : memref<640000xi32, #tpu.memory_space<hbm>> -> memref<10000xi32, #tpu.memory_space<hbm>>
      tpu.wait_dma2 semaphore(%run_scoped3A : memref<!tpu.dma_semaphore, #tpu.memory_space<semaphore_mem>>) src(%dma_wait3A_12 : memref<10000xi32, #tpu.memory_space<hbm>>) dst(%arg5 : memref<10000xi32, #tpu.memory_space<vmem>>)
      tpu.yield
    }) : () -> ()
    "tpu.region"() ({
      %run_scoped3A = tpu.sem_alloc : memref<!tpu.dma_semaphore, #tpu.memory_space<semaphore_mem>>
      %dma_start3A = tpu.memref_slice %arg3[%mul3A_2] : memref<320000xf32, #tpu.memory_space<hbm>> -> memref<10000xf32, #tpu.memory_space<hbm>>
      %dma_start3A_11 = tpu.memref_slice %arg3[%mul3A_2] : memref<320000xf32, #tpu.memory_space<hbm>> -> memref<10000xf32, #tpu.memory_space<hbm>>
      tpu.enqueue_dma source(%dma_start3A_11 : memref<10000xf32, #tpu.memory_space<hbm>>) target(%arg6 : memref<10000xf32, #tpu.memory_space<vmem>>) target_semaphore(%run_scoped3A : memref<!tpu.dma_semaphore, #tpu.memory_space<semaphore_mem>>)
      %dma_wait3A = tpu.memref_slice %arg3[%mul3A_2] : memref<320000xf32, #tpu.memory_space<hbm>> -> memref<10000xf32, #tpu.memory_space<hbm>>
      %dma_wait3A_12 = tpu.memref_slice %arg3[%mul3A_2] : memref<320000xf32, #tpu.memory_space<hbm>> -> memref<10000xf32, #tpu.memory_space<hbm>>
      tpu.wait_dma2 semaphore(%run_scoped3A : memref<!tpu.dma_semaphore, #tpu.memory_space<semaphore_mem>>) src(%dma_wait3A_12 : memref<10000xf32, #tpu.memory_space<hbm>>) dst(%arg6 : memref<10000xf32, #tpu.memory_space<vmem>>)
      tpu.yield
    }) : () -> ()
    %broadcast_in_dim3A = arith.constant 0.000000e+00 : f32
    %broadcast_in_dim3A_5 = vector.broadcast %broadcast_in_dim3A : f32 to vector<16xf32>
    %parallel_loop3A = arith.constant 0 : i32
    %parallel_loop3A_6 = arith.constant 625 : i32
    %parallel_loop3A_7 = arith.constant 1 : i32
    scf.for %parallel_loop3A_11 = %parallel_loop3A to %parallel_loop3A_6 step %parallel_loop3A_7  : i32 {
      %parallel_loop3A_12 = arith.constant 16 : i32
      %parallel_loop3A_13 = arith.muli %parallel_loop3A_11, %parallel_loop3A_12 : i32
      %parallel_loop3A_14 = arith.index_cast %parallel_loop3A_13 : i32 to index
      %parallel_loop3A_15 = tpu.vector_load %arg7[%parallel_loop3A_14] {strides = array<i32>} : memref<10000xf32, #tpu.memory_space<vmem>>, vector<16xf32>,
      tpu.vector_store %arg7[%parallel_loop3A_14], %broadcast_in_dim3A_5 {strides = array<i32>} : memref<10000xf32, #tpu.memory_space<vmem>>, vector<16xf32>,
    } {sc.loop_unroll_factor = 8 : i64, sc.parallel_access}
    %parallel_loop3A_8 = arith.constant 0 : i32
    %parallel_loop3A_9 = arith.constant 625 : i32
    %parallel_loop3A_10 = arith.constant 1 : i32
    scf.for %parallel_loop3A_11 = %parallel_loop3A_8 to %parallel_loop3A_9 step %parallel_loop3A_10  : i32 {
      %parallel_loop3A_12 = arith.constant 16 : i32
      %parallel_loop3A_13 = arith.muli %parallel_loop3A_11, %parallel_loop3A_12 : i32
      %parallel_loop3A_14 = arith.index_cast %parallel_loop3A_13 : i32 to index
      %parallel_loop3A_15 = tpu.vector_load %arg5[%parallel_loop3A_14] {strides = array<i32>} : memref<10000xi32, #tpu.memory_space<vmem>>, vector<16xi32>,
      %parallel_loop3A_16 = arith.constant 16 : i32
      %parallel_loop3A_17 = arith.muli %parallel_loop3A_11, %parallel_loop3A_16 : i32
      %parallel_loop3A_18 = arith.index_cast %parallel_loop3A_17 : i32 to index
      %parallel_loop3A_19 = tpu.vector_load %arg6[%parallel_loop3A_18] {strides = array<i32>} : memref<10000xf32, #tpu.memory_space<vmem>>, vector<16xf32>,
      tpu.vector_store_idx %arg7[%parallel_loop3A_15], %parallel_loop3A_19 {add = true} : memref<10000xf32, #tpu.memory_space<vmem>>[vector<16xi32>], vector<16xf32>,
    } {sc.loop_unroll_factor = 8 : i64, sc.parallel_access}
    "tpu.region"() ({
      %run_scoped3A = tpu.sem_alloc : memref<!tpu.dma_semaphore, #tpu.memory_space<semaphore_mem>>
      %dma_start3A = arith.constant 0 : i32
      %dma_start3A_11 = tpu.memref_slice %arg4[%add3A, %dma_start3A] : memref<32x10000xf32, #tpu.memory_space<hbm>> -> memref<1x10000xf32, #tpu.memory_space<hbm>>
      %dma_start3A_12 = tpu.memref_squeeze %dma_start3A_11 : memref<1x10000xf32, #tpu.memory_space<hbm>> -> memref<10000xf32, #tpu.memory_space<hbm>>
      %dma_start3A_13 = arith.constant 0 : i32
      %dma_start3A_14 = tpu.memref_slice %arg4[%add3A, %dma_start3A_13] : memref<32x10000xf32, #tpu.memory_space<hbm>> -> memref<1x10000xf32, #tpu.memory_space<hbm>>
      %dma_start3A_15 = tpu.memref_squeeze %dma_start3A_14 : memref<1x10000xf32, #tpu.memory_space<hbm>> -> memref<10000xf32, #tpu.memory_space<hbm>>
      tpu.enqueue_dma source(%arg7 : memref<10000xf32, #tpu.memory_space<vmem>>) target(%dma_start3A_15 : memref<10000xf32, #tpu.memory_space<hbm>>) target_semaphore(%run_scoped3A : memref<!tpu.dma_semaphore, #tpu.memory_space<semaphore_mem>>)
      %dma_wait3A = arith.constant 0 : i32
      %dma_wait3A_16 = tpu.memref_slice %arg4[%add3A, %dma_wait3A] : memref<32x10000xf32, #tpu.memory_space<hbm>> -> memref<1x10000xf32, #tpu.memory_space<hbm>>
      %dma_wait3A_17 = tpu.memref_squeeze %dma_wait3A_16 : memref<1x10000xf32, #tpu.memory_space<hbm>> -> memref<10000xf32, #tpu.memory_space<hbm>>
      %dma_wait3A_18 = arith.constant 0 : i32
      %dma_wait3A_19 = tpu.memref_slice %arg4[%add3A, %dma_wait3A_18] : memref<32x10000xf32, #tpu.memory_space<hbm>> -> memref<1x10000xf32, #tpu.memory_space<hbm>>
      %dma_wait3A_20 = tpu.memref_squeeze %dma_wait3A_19 : memref<1x10000xf32, #tpu.memory_space<hbm>> -> memref<10000xf32, #tpu.memory_space<hbm>>
      tpu.wait_dma2 semaphore(%run_scoped3A : memref<!tpu.dma_semaphore, #tpu.memory_space<semaphore_mem>>) src(%arg7 : memref<10000xf32, #tpu.memory_space<vmem>>) dst(%dma_wait3A_20 : memref<10000xf32, #tpu.memory_space<hbm>>)
      tpu.yield
    }) : () -> ()
    return
  }
}

#map = affine_map<(d0, d1) -> (0)>
module attributes {stable_mosaic.version = 14 : i64} {
  func.func @_accum_body(%arg0: i32, %arg1: i32, %arg2: memref<640000xi32, #tpu.memory_space<hbm>>, %arg3: memref<320000xf32, #tpu.memory_space<hbm>>, %arg4: memref<320000xf32, #tpu.memory_space<hbm>>, %arg5: memref<320000xf32, #tpu.memory_space<hbm>>, %arg6: memref<960000xf32, #tpu.memory_space<hbm>>, %arg7: memref<20000xf32, #tpu.memory_space<vmem>>, %arg8: memref<30000xf32, #tpu.memory_space<vmem>>, %arg9: memref<10000xi32, #tpu.memory_space<vmem>>, %arg10: memref<10000xi32, #tpu.memory_space<vmem>>, %arg11: memref<10000xf32, #tpu.memory_space<vmem>>, %arg12: memref<10000xi32, #tpu.memory_space<vmem>>, %arg13: memref<10000xi32, #tpu.memory_space<vmem>>, %arg14: memref<10000xf32, #tpu.memory_space<vmem>>, %arg15: memref<2x!tpu.dma_semaphore, #tpu.memory_space<semaphore_mem>>) attributes {dimension_semantics = [#tpu.dimension_semantics<core_parallel>, #tpu.dimension_semantics<subcore_parallel>], iteration_bounds = array<i64: 2, 16>, scalar_prefetch = 0 : i64, scratch_operands = 9 : i64, tpu.core_type = #tpu.core_type<sc_vector_subcore>, window_params = [{transform_indices = #map}, {transform_indices = #map}, {transform_indices = #map}, {transform_indices = #map}, {transform_indices = #map}]} {
    %mul3A = arith.constant 2 : i32
    %mul3A_0 = arith.muli %arg1, %mul3A : i32
    %add3A = arith.addi %mul3A_0, %arg0 : i32
    %mul3A_1 = arith.constant 10000 : i32
    %mul3A_2 = arith.muli %add3A, %mul3A_1 : i32
    %dma_start3A = arith.constant 0 : i32
    %dma_start3A_3 = arith.constant 0 : i32
    %dma_start3A_4 = tpu.memref_slice %arg2[%dma_start3A_3] : memref<640000xi32, #tpu.memory_space<hbm>> -> memref<10000xi32, #tpu.memory_space<hbm>>
    %dma_start3A_5 = tpu.memref_slice %arg15[%dma_start3A] : memref<2x!tpu.dma_semaphore, #tpu.memory_space<semaphore_mem>> -> memref<1x!tpu.dma_semaphore, #tpu.memory_space<semaphore_mem>>
    %dma_start3A_6 = tpu.memref_squeeze %dma_start3A_5 : memref<1x!tpu.dma_semaphore, #tpu.memory_space<semaphore_mem>> -> memref<!tpu.dma_semaphore, #tpu.memory_space<semaphore_mem>>
    %dma_start3A_7 = arith.constant 0 : i32
    %dma_start3A_8 = tpu.memref_slice %arg2[%dma_start3A_7] : memref<640000xi32, #tpu.memory_space<hbm>> -> memref<10000xi32, #tpu.memory_space<hbm>>
    tpu.enqueue_dma source(%dma_start3A_8 : memref<10000xi32, #tpu.memory_space<hbm>>) target(%arg9 : memref<10000xi32, #tpu.memory_space<vmem>>) target_semaphore(%dma_start3A_6 : memref<!tpu.dma_semaphore, #tpu.memory_space<semaphore_mem>>)
    %dma_start3A_9 = arith.constant 0 : i32
    %dma_start3A_10 = arith.constant 320000 : i32
    %dma_start3A_11 = tpu.memref_slice %arg2[%dma_start3A_10] : memref<640000xi32, #tpu.memory_space<hbm>> -> memref<10000xi32, #tpu.memory_space<hbm>>
    %dma_start3A_12 = tpu.memref_slice %arg15[%dma_start3A_9] : memref<2x!tpu.dma_semaphore, #tpu.memory_space<semaphore_mem>> -> memref<1x!tpu.dma_semaphore, #tpu.memory_space<semaphore_mem>>
    %dma_start3A_13 = tpu.memref_squeeze %dma_start3A_12 : memref<1x!tpu.dma_semaphore, #tpu.memory_space<semaphore_mem>> -> memref<!tpu.dma_semaphore, #tpu.memory_space<semaphore_mem>>
    %dma_start3A_14 = arith.constant 320000 : i32
    %dma_start3A_15 = tpu.memref_slice %arg2[%dma_start3A_14] : memref<640000xi32, #tpu.memory_space<hbm>> -> memref<10000xi32, #tpu.memory_space<hbm>>
    tpu.enqueue_dma source(%dma_start3A_15 : memref<10000xi32, #tpu.memory_space<hbm>>) target(%arg10 : memref<10000xi32, #tpu.memory_space<vmem>>) target_semaphore(%dma_start3A_13 : memref<!tpu.dma_semaphore, #tpu.memory_space<semaphore_mem>>)
    %dma_start3A_16 = arith.constant 0 : i32
    %dma_start3A_17 = arith.constant 0 : i32
    %dma_start3A_18 = tpu.memref_slice %arg3[%dma_start3A_17] : memref<320000xf32, #tpu.memory_space<hbm>> -> memref<10000xf32, #tpu.memory_space<hbm>>
    %dma_start3A_19 = tpu.memref_slice %arg15[%dma_start3A_16] : memref<2x!tpu.dma_semaphore, #tpu.memory_space<semaphore_mem>> -> memref<1x!tpu.dma_semaphore, #tpu.memory_space<semaphore_mem>>
    %dma_start3A_20 = tpu.memref_squeeze %dma_start3A_19 : memref<1x!tpu.dma_semaphore, #tpu.memory_space<semaphore_mem>> -> memref<!tpu.dma_semaphore, #tpu.memory_space<semaphore_mem>>
    %dma_start3A_21 = arith.constant 0 : i32
    %dma_start3A_22 = tpu.memref_slice %arg3[%dma_start3A_21] : memref<320000xf32, #tpu.memory_space<hbm>> -> memref<10000xf32, #tpu.memory_space<hbm>>
    tpu.enqueue_dma source(%dma_start3A_22 : memref<10000xf32, #tpu.memory_space<hbm>>) target(%arg11 : memref<10000xf32, #tpu.memory_space<vmem>>) target_semaphore(%dma_start3A_20 : memref<!tpu.dma_semaphore, #tpu.memory_space<semaphore_mem>>)
    "tpu.region"() ({
      %run_scoped3A = tpu.sem_alloc : memref<!tpu.dma_semaphore, #tpu.memory_space<semaphore_mem>>
      %dma_start3A_42 = arith.constant 0 : i32
      %dma_start3A_43 = tpu.memref_slice %arg7[%dma_start3A_42] : memref<20000xf32, #tpu.memory_space<vmem>> -> memref<10000xf32, #tpu.memory_space<vmem>>
      %dma_start3A_44 = tpu.memref_slice %arg4[%mul3A_2] : memref<320000xf32, #tpu.memory_space<hbm>> -> memref<10000xf32, #tpu.memory_space<hbm>>
      %dma_start3A_45 = arith.constant 0 : i32
      %dma_start3A_46 = tpu.memref_slice %arg7[%dma_start3A_45] : memref<20000xf32, #tpu.memory_space<vmem>> -> memref<10000xf32, #tpu.memory_space<vmem>>
      %dma_start3A_47 = tpu.memref_slice %arg4[%mul3A_2] : memref<320000xf32, #tpu.memory_space<hbm>> -> memref<10000xf32, #tpu.memory_space<hbm>>
      tpu.enqueue_dma source(%dma_start3A_47 : memref<10000xf32, #tpu.memory_space<hbm>>) target(%dma_start3A_46 : memref<10000xf32, #tpu.memory_space<vmem>>) target_semaphore(%run_scoped3A : memref<!tpu.dma_semaphore, #tpu.memory_space<semaphore_mem>>)
      %dma_wait3A = arith.constant 0 : i32
      %dma_wait3A_48 = tpu.memref_slice %arg7[%dma_wait3A] : memref<20000xf32, #tpu.memory_space<vmem>> -> memref<10000xf32, #tpu.memory_space<vmem>>
      %dma_wait3A_49 = tpu.memref_slice %arg4[%mul3A_2] : memref<320000xf32, #tpu.memory_space<hbm>> -> memref<10000xf32, #tpu.memory_space<hbm>>
      %dma_wait3A_50 = arith.constant 0 : i32
      %dma_wait3A_51 = tpu.memref_slice %arg7[%dma_wait3A_50] : memref<20000xf32, #tpu.memory_space<vmem>> -> memref<10000xf32, #tpu.memory_space<vmem>>
      %dma_wait3A_52 = tpu.memref_slice %arg4[%mul3A_2] : memref<320000xf32, #tpu.memory_space<hbm>> -> memref<10000xf32, #tpu.memory_space<hbm>>
      tpu.wait_dma2 semaphore(%run_scoped3A : memref<!tpu.dma_semaphore, #tpu.memory_space<semaphore_mem>>) src(%dma_wait3A_52 : memref<10000xf32, #tpu.memory_space<hbm>>) dst(%dma_wait3A_51 : memref<10000xf32, #tpu.memory_space<vmem>>)
      tpu.yield
    }) : () -> ()
    "tpu.region"() ({
      %run_scoped3A = tpu.sem_alloc : memref<!tpu.dma_semaphore, #tpu.memory_space<semaphore_mem>>
      %dma_start3A_42 = arith.constant 10000 : i32
      %dma_start3A_43 = tpu.memref_slice %arg7[%dma_start3A_42] : memref<20000xf32, #tpu.memory_space<vmem>> -> memref<10000xf32, #tpu.memory_space<vmem>>
      %dma_start3A_44 = tpu.memref_slice %arg5[%mul3A_2] : memref<320000xf32, #tpu.memory_space<hbm>> -> memref<10000xf32, #tpu.memory_space<hbm>>
      %dma_start3A_45 = arith.constant 10000 : i32
      %dma_start3A_46 = tpu.memref_slice %arg7[%dma_start3A_45] : memref<20000xf32, #tpu.memory_space<vmem>> -> memref<10000xf32, #tpu.memory_space<vmem>>
      %dma_start3A_47 = tpu.memref_slice %arg5[%mul3A_2] : memref<320000xf32, #tpu.memory_space<hbm>> -> memref<10000xf32, #tpu.memory_space<hbm>>
      tpu.enqueue_dma source(%dma_start3A_47 : memref<10000xf32, #tpu.memory_space<hbm>>) target(%dma_start3A_46 : memref<10000xf32, #tpu.memory_space<vmem>>) target_semaphore(%run_scoped3A : memref<!tpu.dma_semaphore, #tpu.memory_space<semaphore_mem>>)
      %dma_wait3A = arith.constant 10000 : i32
      %dma_wait3A_48 = tpu.memref_slice %arg7[%dma_wait3A] : memref<20000xf32, #tpu.memory_space<vmem>> -> memref<10000xf32, #tpu.memory_space<vmem>>
      %dma_wait3A_49 = tpu.memref_slice %arg5[%mul3A_2] : memref<320000xf32, #tpu.memory_space<hbm>> -> memref<10000xf32, #tpu.memory_space<hbm>>
      %dma_wait3A_50 = arith.constant 10000 : i32
      %dma_wait3A_51 = tpu.memref_slice %arg7[%dma_wait3A_50] : memref<20000xf32, #tpu.memory_space<vmem>> -> memref<10000xf32, #tpu.memory_space<vmem>>
      %dma_wait3A_52 = tpu.memref_slice %arg5[%mul3A_2] : memref<320000xf32, #tpu.memory_space<hbm>> -> memref<10000xf32, #tpu.memory_space<hbm>>
      tpu.wait_dma2 semaphore(%run_scoped3A : memref<!tpu.dma_semaphore, #tpu.memory_space<semaphore_mem>>) src(%dma_wait3A_52 : memref<10000xf32, #tpu.memory_space<hbm>>) dst(%dma_wait3A_51 : memref<10000xf32, #tpu.memory_space<vmem>>)
      tpu.yield
    }) : () -> ()
    %broadcast_in_dim3A = arith.constant 0.000000e+00 : f32
    %broadcast_in_dim3A_23 = vector.broadcast %broadcast_in_dim3A : f32 to vector<16xf32>
    %parallel_loop3A = arith.constant 0 : i32
    %parallel_loop3A_24 = arith.constant 1875 : i32
    %parallel_loop3A_25 = arith.constant 1 : i32
    scf.for %parallel_loop3A_42 = %parallel_loop3A to %parallel_loop3A_24 step %parallel_loop3A_25  : i32 {
      %parallel_loop3A_43 = arith.constant 16 : i32
      %parallel_loop3A_44 = arith.muli %parallel_loop3A_42, %parallel_loop3A_43 : i32
      %parallel_loop3A_45 = arith.index_cast %parallel_loop3A_44 : i32 to index
      %parallel_loop3A_46 = tpu.vector_load %arg8[%parallel_loop3A_45] {strides = array<i32>} : memref<30000xf32, #tpu.memory_space<vmem>>, vector<16xf32>,
      tpu.vector_store %arg8[%parallel_loop3A_45], %broadcast_in_dim3A_23 {strides = array<i32>} : memref<30000xf32, #tpu.memory_space<vmem>>, vector<16xf32>,
    } {sc.loop_unroll_factor = 8 : i64, sc.parallel_access}
    %scan3A = arith.constant 0 : i32
    %scan3A_26 = arith.constant 16 : i32
    %scan3A_27 = arith.addi %scan3A, %scan3A_26 : i32
    %scan3A_28 = arith.constant 1 : i32
    scf.for %scan3A_42 = %scan3A to %scan3A_27 step %scan3A_28  : i32 {
      %mul3A_43 = arith.constant 2 : i32
      %mul3A_44 = arith.muli %scan3A_42, %mul3A_43 : i32
      %add3A_45 = arith.constant 0 : i32
      %add3A_46 = arith.addi %mul3A_44, %add3A_45 : i32
      %mul3A_47 = arith.constant 10000 : i32
      %mul3A_48 = arith.muli %add3A_46, %mul3A_47 : i32
      %dma_wait3A = arith.constant 0 : i32
      %dma_wait3A_49 = tpu.memref_slice %arg2[%mul3A_48] : memref<640000xi32, #tpu.memory_space<hbm>> -> memref<10000xi32, #tpu.memory_space<hbm>>
      %dma_wait3A_50 = tpu.memref_slice %arg15[%dma_wait3A] : memref<2x!tpu.dma_semaphore, #tpu.memory_space<semaphore_mem>> -> memref<1x!tpu.dma_semaphore, #tpu.memory_space<semaphore_mem>>
      %dma_wait3A_51 = tpu.memref_squeeze %dma_wait3A_50 : memref<1x!tpu.dma_semaphore, #tpu.memory_space<semaphore_mem>> -> memref<!tpu.dma_semaphore, #tpu.memory_space<semaphore_mem>>
      %dma_wait3A_52 = tpu.memref_slice %arg2[%mul3A_48] : memref<640000xi32, #tpu.memory_space<hbm>> -> memref<10000xi32, #tpu.memory_space<hbm>>
      tpu.wait_dma2 semaphore(%dma_wait3A_51 : memref<!tpu.dma_semaphore, #tpu.memory_space<semaphore_mem>>) src(%dma_wait3A_52 : memref<10000xi32, #tpu.memory_space<hbm>>) dst(%arg9 : memref<10000xi32, #tpu.memory_space<vmem>>)
      %add3A_53 = arith.constant 320000 : i32
      %add3A_54 = arith.addi %add3A_53, %mul3A_48 : i32
      %dma_wait3A_55 = arith.constant 0 : i32
      %dma_wait3A_56 = tpu.memref_slice %arg2[%add3A_54] : memref<640000xi32, #tpu.memory_space<hbm>> -> memref<10000xi32, #tpu.memory_space<hbm>>
      %dma_wait3A_57 = tpu.memref_slice %arg15[%dma_wait3A_55] : memref<2x!tpu.dma_semaphore, #tpu.memory_space<semaphore_mem>> -> memref<1x!tpu.dma_semaphore, #tpu.memory_space<semaphore_mem>>
      %dma_wait3A_58 = tpu.memref_squeeze %dma_wait3A_57 : memref<1x!tpu.dma_semaphore, #tpu.memory_space<semaphore_mem>> -> memref<!tpu.dma_semaphore, #tpu.memory_space<semaphore_mem>>
      %dma_wait3A_59 = tpu.memref_slice %arg2[%add3A_54] : memref<640000xi32, #tpu.memory_space<hbm>> -> memref<10000xi32, #tpu.memory_space<hbm>>
      tpu.wait_dma2 semaphore(%dma_wait3A_58 : memref<!tpu.dma_semaphore, #tpu.memory_space<semaphore_mem>>) src(%dma_wait3A_59 : memref<10000xi32, #tpu.memory_space<hbm>>) dst(%arg10 : memref<10000xi32, #tpu.memory_space<vmem>>)
      %dma_wait3A_60 = arith.constant 0 : i32
      %dma_wait3A_61 = tpu.memref_slice %arg3[%mul3A_48] : memref<320000xf32, #tpu.memory_space<hbm>> -> memref<10000xf32, #tpu.memory_space<hbm>>
      %dma_wait3A_62 = tpu.memref_slice %arg15[%dma_wait3A_60] : memref<2x!tpu.dma_semaphore, #tpu.memory_space<semaphore_mem>> -> memref<1x!tpu.dma_semaphore, #tpu.memory_space<semaphore_mem>>
      %dma_wait3A_63 = tpu.memref_squeeze %dma_wait3A_62 : memref<1x!tpu.dma_semaphore, #tpu.memory_space<semaphore_mem>> -> memref<!tpu.dma_semaphore, #tpu.memory_space<semaphore_mem>>
      %dma_wait3A_64 = tpu.memref_slice %arg3[%mul3A_48] : memref<320000xf32, #tpu.memory_space<hbm>> -> memref<10000xf32, #tpu.memory_space<hbm>>
      tpu.wait_dma2 semaphore(%dma_wait3A_63 : memref<!tpu.dma_semaphore, #tpu.memory_space<semaphore_mem>>) src(%dma_wait3A_64 : memref<10000xf32, #tpu.memory_space<hbm>>) dst(%arg11 : memref<10000xf32, #tpu.memory_space<vmem>>)
      %add3A_65 = arith.constant 1 : i32
      %add3A_66 = arith.addi %add3A_46, %add3A_65 : i32
      %lt3A = arith.constant 32 : i32
      %lt3A_67 = arith.cmpi slt, %add3A_66, %lt3A : i32
      %convert_element_type3A = arith.extui %lt3A_67 : i1 to i32
      %cond3A = arith.constant 0 : i32
      %cond3A_68 = arith.cmpi ne, %convert_element_type3A, %cond3A : i32
      scf.if %cond3A_68 {
        %add3A_103 = arith.constant 1 : i32
        %add3A_104 = arith.addi %add3A_46, %add3A_103 : i32
        %mul3A_105 = arith.constant 10000 : i32
        %mul3A_106 = arith.muli %add3A_104, %mul3A_105 : i32
        %dma_start3A_107 = arith.constant 1 : i32
        %dma_start3A_108 = tpu.memref_slice %arg2[%mul3A_106] : memref<640000xi32, #tpu.memory_space<hbm>> -> memref<10000xi32, #tpu.memory_space<hbm>>
        %dma_start3A_109 = tpu.memref_slice %arg15[%dma_start3A_107] : memref<2x!tpu.dma_semaphore, #tpu.memory_space<semaphore_mem>> -> memref<1x!tpu.dma_semaphore, #tpu.memory_space<semaphore_mem>>
        %dma_start3A_110 = tpu.memref_squeeze %dma_start3A_109 : memref<1x!tpu.dma_semaphore, #tpu.memory_space<semaphore_mem>> -> memref<!tpu.dma_semaphore, #tpu.memory_space<semaphore_mem>>
        %dma_start3A_111 = tpu.memref_slice %arg2[%mul3A_106] : memref<640000xi32, #tpu.memory_space<hbm>> -> memref<10000xi32, #tpu.memory_space<hbm>>
        tpu.enqueue_dma source(%dma_start3A_111 : memref<10000xi32, #tpu.memory_space<hbm>>) target(%arg12 : memref<10000xi32, #tpu.memory_space<vmem>>) target_semaphore(%dma_start3A_110 : memref<!tpu.dma_semaphore, #tpu.memory_space<semaphore_mem>>)
        %add3A_112 = arith.constant 320000 : i32
        %add3A_113 = arith.addi %add3A_112, %mul3A_106 : i32
        %dma_start3A_114 = arith.constant 1 : i32
        %dma_start3A_115 = tpu.memref_slice %arg2[%add3A_113] : memref<640000xi32, #tpu.memory_space<hbm>> -> memref<10000xi32, #tpu.memory_space<hbm>>
        %dma_start3A_116 = tpu.memref_slice %arg15[%dma_start3A_114] : memref<2x!tpu.dma_semaphore, #tpu.memory_space<semaphore_mem>> -> memref<1x!tpu.dma_semaphore, #tpu.memory_space<semaphore_mem>>
        %dma_start3A_117 = tpu.memref_squeeze %dma_start3A_116 : memref<1x!tpu.dma_semaphore, #tpu.memory_space<semaphore_mem>> -> memref<!tpu.dma_semaphore, #tpu.memory_space<semaphore_mem>>
        %dma_start3A_118 = tpu.memref_slice %arg2[%add3A_113] : memref<640000xi32, #tpu.memory_space<hbm>> -> memref<10000xi32, #tpu.memory_space<hbm>>
        tpu.enqueue_dma source(%dma_start3A_118 : memref<10000xi32, #tpu.memory_space<hbm>>) target(%arg13 : memref<10000xi32, #tpu.memory_space<vmem>>) target_semaphore(%dma_start3A_117 : memref<!tpu.dma_semaphore, #tpu.memory_space<semaphore_mem>>)
        %dma_start3A_119 = arith.constant 1 : i32
        %dma_start3A_120 = tpu.memref_slice %arg3[%mul3A_106] : memref<320000xf32, #tpu.memory_space<hbm>> -> memref<10000xf32, #tpu.memory_space<hbm>>
        %dma_start3A_121 = tpu.memref_slice %arg15[%dma_start3A_119] : memref<2x!tpu.dma_semaphore, #tpu.memory_space<semaphore_mem>> -> memref<1x!tpu.dma_semaphore, #tpu.memory_space<semaphore_mem>>
        %dma_start3A_122 = tpu.memref_squeeze %dma_start3A_121 : memref<1x!tpu.dma_semaphore, #tpu.memory_space<semaphore_mem>> -> memref<!tpu.dma_semaphore, #tpu.memory_space<semaphore_mem>>
        %dma_start3A_123 = tpu.memref_slice %arg3[%mul3A_106] : memref<320000xf32, #tpu.memory_space<hbm>> -> memref<10000xf32, #tpu.memory_space<hbm>>
        tpu.enqueue_dma source(%dma_start3A_123 : memref<10000xf32, #tpu.memory_space<hbm>>) target(%arg14 : memref<10000xf32, #tpu.memory_space<vmem>>) target_semaphore(%dma_start3A_122 : memref<!tpu.dma_semaphore, #tpu.memory_space<semaphore_mem>>)
      } else {
      }
      %parallel_loop3A_69 = arith.constant 0 : i32
      %parallel_loop3A_70 = arith.constant 625 : i32
      %parallel_loop3A_71 = arith.constant 1 : i32
      scf.for %parallel_loop3A_103 = %parallel_loop3A_69 to %parallel_loop3A_70 step %parallel_loop3A_71  : i32 {
        %parallel_loop3A_104 = arith.constant 16 : i32
        %parallel_loop3A_105 = arith.muli %parallel_loop3A_103, %parallel_loop3A_104 : i32
        %parallel_loop3A_106 = arith.index_cast %parallel_loop3A_105 : i32 to index
        %parallel_loop3A_107 = tpu.vector_load %arg9[%parallel_loop3A_106] {strides = array<i32>} : memref<10000xi32, #tpu.memory_space<vmem>>, vector<16xi32>,
        %parallel_loop3A_108 = arith.constant 16 : i32
        %parallel_loop3A_109 = arith.muli %parallel_loop3A_103, %parallel_loop3A_108 : i32
        %parallel_loop3A_110 = arith.index_cast %parallel_loop3A_109 : i32 to index
        %parallel_loop3A_111 = tpu.vector_load %arg10[%parallel_loop3A_110] {strides = array<i32>} : memref<10000xi32, #tpu.memory_space<vmem>>, vector<16xi32>,
        %parallel_loop3A_112 = arith.constant 16 : i32
        %parallel_loop3A_113 = arith.muli %parallel_loop3A_103, %parallel_loop3A_112 : i32
        %parallel_loop3A_114 = arith.index_cast %parallel_loop3A_113 : i32 to index
        %parallel_loop3A_115 = tpu.vector_load %arg11[%parallel_loop3A_114] {strides = array<i32>} : memref<10000xf32, #tpu.memory_space<vmem>>, vector<16xf32>,
        %parallel_loop3A_116 = tpu.vector_load_idx %arg7[%parallel_loop3A_107] : memref<20000xf32, #tpu.memory_space<vmem>>[vector<16xi32>], vector<16xf32>,
        %parallel_loop3A_117 = vector.bitcast %parallel_loop3A_116 : vector<16xf32> to vector<32xbf16>
        %parallel_loop3A_118 = tpu.unpack_subelements %parallel_loop3A_117, 0 {pack_format = #tpu.pack_format<interleaved>} : vector<32xbf16> -> vector<16xf32>
        %parallel_loop3A_119 = tpu.unpack_subelements %parallel_loop3A_117, 1 {pack_format = #tpu.pack_format<interleaved>} : vector<32xbf16> -> vector<16xf32>
        %parallel_loop3A_120 = arith.constant 10000 : i32
        %parallel_loop3A_121 = vector.broadcast %parallel_loop3A_120 : i32 to vector<16xi32>
        %parallel_loop3A_122 = arith.addi %parallel_loop3A_107, %parallel_loop3A_121 : vector<16xi32>
        %parallel_loop3A_123 = tpu.vector_load_idx %arg7[%parallel_loop3A_122] : memref<20000xf32, #tpu.memory_space<vmem>>[vector<16xi32>], vector<16xf32>,
        %parallel_loop3A_124 = arith.mulf %parallel_loop3A_118, %parallel_loop3A_115 : vector<16xf32>
        tpu.vector_store_idx %arg8[%parallel_loop3A_111], %parallel_loop3A_124 {add = true} : memref<30000xf32, #tpu.memory_space<vmem>>[vector<16xi32>], vector<16xf32>,
        %parallel_loop3A_125 = arith.constant 10000 : i32
        %parallel_loop3A_126 = vector.broadcast %parallel_loop3A_125 : i32 to vector<16xi32>
        %parallel_loop3A_127 = arith.addi %parallel_loop3A_111, %parallel_loop3A_126 : vector<16xi32>
        %parallel_loop3A_128 = arith.mulf %parallel_loop3A_119, %parallel_loop3A_115 : vector<16xf32>
        tpu.vector_store_idx %arg8[%parallel_loop3A_127], %parallel_loop3A_128 {add = true} : memref<30000xf32, #tpu.memory_space<vmem>>[vector<16xi32>], vector<16xf32>,
        %parallel_loop3A_129 = arith.constant 20000 : i32
        %parallel_loop3A_130 = vector.broadcast %parallel_loop3A_129 : i32 to vector<16xi32>
        %parallel_loop3A_131 = arith.addi %parallel_loop3A_111, %parallel_loop3A_130 : vector<16xi32>
        %parallel_loop3A_132 = arith.mulf %parallel_loop3A_123, %parallel_loop3A_115 : vector<16xf32>
        tpu.vector_store_idx %arg8[%parallel_loop3A_131], %parallel_loop3A_132 {add = true} : memref<30000xf32, #tpu.memory_space<vmem>>[vector<16xi32>], vector<16xf32>,
      } {sc.loop_unroll_factor = 8 : i64, sc.parallel_access}
      %add3A_72 = arith.constant 1 : i32
      %add3A_73 = arith.addi %mul3A_44, %add3A_72 : i32
      %mul3A_74 = arith.constant 10000 : i32
      %mul3A_75 = arith.muli %add3A_73, %mul3A_74 : i32
      %dma_wait3A_76 = arith.constant 1 : i32
      %dma_wait3A_77 = tpu.memref_slice %arg2[%mul3A_75] : memref<640000xi32, #tpu.memory_space<hbm>> -> memref<10000xi32, #tpu.memory_space<hbm>>
      %dma_wait3A_78 = tpu.memref_slice %arg15[%dma_wait3A_76] : memref<2x!tpu.dma_semaphore, #tpu.memory_space<semaphore_mem>> -> memref<1x!tpu.dma_semaphore, #tpu.memory_space<semaphore_mem>>
      %dma_wait3A_79 = tpu.memref_squeeze %dma_wait3A_78 : memref<1x!tpu.dma_semaphore, #tpu.memory_space<semaphore_mem>> -> memref<!tpu.dma_semaphore, #tpu.memory_space<semaphore_mem>>
      %dma_wait3A_80 = tpu.memref_slice %arg2[%mul3A_75] : memref<640000xi32, #tpu.memory_space<hbm>> -> memref<10000xi32, #tpu.memory_space<hbm>>
      tpu.wait_dma2 semaphore(%dma_wait3A_79 : memref<!tpu.dma_semaphore, #tpu.memory_space<semaphore_mem>>) src(%dma_wait3A_80 : memref<10000xi32, #tpu.memory_space<hbm>>) dst(%arg12 : memref<10000xi32, #tpu.memory_space<vmem>>)
      %add3A_81 = arith.constant 320000 : i32
      %add3A_82 = arith.addi %add3A_81, %mul3A_75 : i32
      %dma_wait3A_83 = arith.constant 1 : i32
      %dma_wait3A_84 = tpu.memref_slice %arg2[%add3A_82] : memref<640000xi32, #tpu.memory_space<hbm>> -> memref<10000xi32, #tpu.memory_space<hbm>>
      %dma_wait3A_85 = tpu.memref_slice %arg15[%dma_wait3A_83] : memref<2x!tpu.dma_semaphore, #tpu.memory_space<semaphore_mem>> -> memref<1x!tpu.dma_semaphore, #tpu.memory_space<semaphore_mem>>
      %dma_wait3A_86 = tpu.memref_squeeze %dma_wait3A_85 : memref<1x!tpu.dma_semaphore, #tpu.memory_space<semaphore_mem>> -> memref<!tpu.dma_semaphore, #tpu.memory_space<semaphore_mem>>
      %dma_wait3A_87 = tpu.memref_slice %arg2[%add3A_82] : memref<640000xi32, #tpu.memory_space<hbm>> -> memref<10000xi32, #tpu.memory_space<hbm>>
      tpu.wait_dma2 semaphore(%dma_wait3A_86 : memref<!tpu.dma_semaphore, #tpu.memory_space<semaphore_mem>>) src(%dma_wait3A_87 : memref<10000xi32, #tpu.memory_space<hbm>>) dst(%arg13 : memref<10000xi32, #tpu.memory_space<vmem>>)
      %dma_wait3A_88 = arith.constant 1 : i32
      %dma_wait3A_89 = tpu.memref_slice %arg3[%mul3A_75] : memref<320000xf32, #tpu.memory_space<hbm>> -> memref<10000xf32, #tpu.memory_space<hbm>>
      %dma_wait3A_90 = tpu.memref_slice %arg15[%dma_wait3A_88] : memref<2x!tpu.dma_semaphore, #tpu.memory_space<semaphore_mem>> -> memref<1x!tpu.dma_semaphore, #tpu.memory_space<semaphore_mem>>
      %dma_wait3A_91 = tpu.memref_squeeze %dma_wait3A_90 : memref<1x!tpu.dma_semaphore, #tpu.memory_space<semaphore_mem>> -> memref<!tpu.dma_semaphore, #tpu.memory_space<semaphore_mem>>
      %dma_wait3A_92 = tpu.memref_slice %arg3[%mul3A_75] : memref<320000xf32, #tpu.memory_space<hbm>> -> memref<10000xf32, #tpu.memory_space<hbm>>
      tpu.wait_dma2 semaphore(%dma_wait3A_91 : memref<!tpu.dma_semaphore, #tpu.memory_space<semaphore_mem>>) src(%dma_wait3A_92 : memref<10000xf32, #tpu.memory_space<hbm>>) dst(%arg14 : memref<10000xf32, #tpu.memory_space<vmem>>)
      %add3A_93 = arith.constant 1 : i32
      %add3A_94 = arith.addi %add3A_73, %add3A_93 : i32
      %lt3A_95 = arith.constant 32 : i32
      %lt3A_96 = arith.cmpi slt, %add3A_94, %lt3A_95 : i32
      %convert_element_type3A_97 = arith.extui %lt3A_96 : i1 to i32
      %cond3A_98 = arith.constant 0 : i32
      %cond3A_99 = arith.cmpi ne, %convert_element_type3A_97, %cond3A_98 : i32
      scf.if %cond3A_99 {
        %add3A_103 = arith.constant 1 : i32
        %add3A_104 = arith.addi %add3A_73, %add3A_103 : i32
        %mul3A_105 = arith.constant 10000 : i32
        %mul3A_106 = arith.muli %add3A_104, %mul3A_105 : i32
        %dma_start3A_107 = arith.constant 0 : i32
        %dma_start3A_108 = tpu.memref_slice %arg2[%mul3A_106] : memref<640000xi32, #tpu.memory_space<hbm>> -> memref<10000xi32, #tpu.memory_space<hbm>>
        %dma_start3A_109 = tpu.memref_slice %arg15[%dma_start3A_107] : memref<2x!tpu.dma_semaphore, #tpu.memory_space<semaphore_mem>> -> memref<1x!tpu.dma_semaphore, #tpu.memory_space<semaphore_mem>>
        %dma_start3A_110 = tpu.memref_squeeze %dma_start3A_109 : memref<1x!tpu.dma_semaphore, #tpu.memory_space<semaphore_mem>> -> memref<!tpu.dma_semaphore, #tpu.memory_space<semaphore_mem>>
        %dma_start3A_111 = tpu.memref_slice %arg2[%mul3A_106] : memref<640000xi32, #tpu.memory_space<hbm>> -> memref<10000xi32, #tpu.memory_space<hbm>>
        tpu.enqueue_dma source(%dma_start3A_111 : memref<10000xi32, #tpu.memory_space<hbm>>) target(%arg9 : memref<10000xi32, #tpu.memory_space<vmem>>) target_semaphore(%dma_start3A_110 : memref<!tpu.dma_semaphore, #tpu.memory_space<semaphore_mem>>)
        %add3A_112 = arith.constant 320000 : i32
        %add3A_113 = arith.addi %add3A_112, %mul3A_106 : i32
        %dma_start3A_114 = arith.constant 0 : i32
        %dma_start3A_115 = tpu.memref_slice %arg2[%add3A_113] : memref<640000xi32, #tpu.memory_space<hbm>> -> memref<10000xi32, #tpu.memory_space<hbm>>
        %dma_start3A_116 = tpu.memref_slice %arg15[%dma_start3A_114] : memref<2x!tpu.dma_semaphore, #tpu.memory_space<semaphore_mem>> -> memref<1x!tpu.dma_semaphore, #tpu.memory_space<semaphore_mem>>
        %dma_start3A_117 = tpu.memref_squeeze %dma_start3A_116 : memref<1x!tpu.dma_semaphore, #tpu.memory_space<semaphore_mem>> -> memref<!tpu.dma_semaphore, #tpu.memory_space<semaphore_mem>>
        %dma_start3A_118 = tpu.memref_slice %arg2[%add3A_113] : memref<640000xi32, #tpu.memory_space<hbm>> -> memref<10000xi32, #tpu.memory_space<hbm>>
        tpu.enqueue_dma source(%dma_start3A_118 : memref<10000xi32, #tpu.memory_space<hbm>>) target(%arg10 : memref<10000xi32, #tpu.memory_space<vmem>>) target_semaphore(%dma_start3A_117 : memref<!tpu.dma_semaphore, #tpu.memory_space<semaphore_mem>>)
        %dma_start3A_119 = arith.constant 0 : i32
        %dma_start3A_120 = tpu.memref_slice %arg3[%mul3A_106] : memref<320000xf32, #tpu.memory_space<hbm>> -> memref<10000xf32, #tpu.memory_space<hbm>>
        %dma_start3A_121 = tpu.memref_slice %arg15[%dma_start3A_119] : memref<2x!tpu.dma_semaphore, #tpu.memory_space<semaphore_mem>> -> memref<1x!tpu.dma_semaphore, #tpu.memory_space<semaphore_mem>>
        %dma_start3A_122 = tpu.memref_squeeze %dma_start3A_121 : memref<1x!tpu.dma_semaphore, #tpu.memory_space<semaphore_mem>> -> memref<!tpu.dma_semaphore, #tpu.memory_space<semaphore_mem>>
        %dma_start3A_123 = tpu.memref_slice %arg3[%mul3A_106] : memref<320000xf32, #tpu.memory_space<hbm>> -> memref<10000xf32, #tpu.memory_space<hbm>>
        tpu.enqueue_dma source(%dma_start3A_123 : memref<10000xf32, #tpu.memory_space<hbm>>) target(%arg11 : memref<10000xf32, #tpu.memory_space<vmem>>) target_semaphore(%dma_start3A_122 : memref<!tpu.dma_semaphore, #tpu.memory_space<semaphore_mem>>)
      } else {
      }
      %parallel_loop3A_100 = arith.constant 0 : i32
      %parallel_loop3A_101 = arith.constant 625 : i32
      %parallel_loop3A_102 = arith.constant 1 : i32
      scf.for %parallel_loop3A_103 = %parallel_loop3A_100 to %parallel_loop3A_101 step %parallel_loop3A_102  : i32 {
        %parallel_loop3A_104 = arith.constant 16 : i32
        %parallel_loop3A_105 = arith.muli %parallel_loop3A_103, %parallel_loop3A_104 : i32
        %parallel_loop3A_106 = arith.index_cast %parallel_loop3A_105 : i32 to index
        %parallel_loop3A_107 = tpu.vector_load %arg12[%parallel_loop3A_106] {strides = array<i32>} : memref<10000xi32, #tpu.memory_space<vmem>>, vector<16xi32>,
        %parallel_loop3A_108 = arith.constant 16 : i32
        %parallel_loop3A_109 = arith.muli %parallel_loop3A_103, %parallel_loop3A_108 : i32
        %parallel_loop3A_110 = arith.index_cast %parallel_loop3A_109 : i32 to index
        %parallel_loop3A_111 = tpu.vector_load %arg13[%parallel_loop3A_110] {strides = array<i32>} : memref<10000xi32, #tpu.memory_space<vmem>>, vector<16xi32>,
        %parallel_loop3A_112 = arith.constant 16 : i32
        %parallel_loop3A_113 = arith.muli %parallel_loop3A_103, %parallel_loop3A_112 : i32
        %parallel_loop3A_114 = arith.index_cast %parallel_loop3A_113 : i32 to index
        %parallel_loop3A_115 = tpu.vector_load %arg14[%parallel_loop3A_114] {strides = array<i32>} : memref<10000xf32, #tpu.memory_space<vmem>>, vector<16xf32>,
        %parallel_loop3A_116 = tpu.vector_load_idx %arg7[%parallel_loop3A_107] : memref<20000xf32, #tpu.memory_space<vmem>>[vector<16xi32>], vector<16xf32>,
        %parallel_loop3A_117 = vector.bitcast %parallel_loop3A_116 : vector<16xf32> to vector<32xbf16>
        %parallel_loop3A_118 = tpu.unpack_subelements %parallel_loop3A_117, 0 {pack_format = #tpu.pack_format<interleaved>} : vector<32xbf16> -> vector<16xf32>
        %parallel_loop3A_119 = tpu.unpack_subelements %parallel_loop3A_117, 1 {pack_format = #tpu.pack_format<interleaved>} : vector<32xbf16> -> vector<16xf32>
        %parallel_loop3A_120 = arith.constant 10000 : i32
        %parallel_loop3A_121 = vector.broadcast %parallel_loop3A_120 : i32 to vector<16xi32>
        %parallel_loop3A_122 = arith.addi %parallel_loop3A_107, %parallel_loop3A_121 : vector<16xi32>
        %parallel_loop3A_123 = tpu.vector_load_idx %arg7[%parallel_loop3A_122] : memref<20000xf32, #tpu.memory_space<vmem>>[vector<16xi32>], vector<16xf32>,
        %parallel_loop3A_124 = arith.mulf %parallel_loop3A_118, %parallel_loop3A_115 : vector<16xf32>
        tpu.vector_store_idx %arg8[%parallel_loop3A_111], %parallel_loop3A_124 {add = true} : memref<30000xf32, #tpu.memory_space<vmem>>[vector<16xi32>], vector<16xf32>,
        %parallel_loop3A_125 = arith.constant 10000 : i32
        %parallel_loop3A_126 = vector.broadcast %parallel_loop3A_125 : i32 to vector<16xi32>
        %parallel_loop3A_127 = arith.addi %parallel_loop3A_111, %parallel_loop3A_126 : vector<16xi32>
        %parallel_loop3A_128 = arith.mulf %parallel_loop3A_119, %parallel_loop3A_115 : vector<16xf32>
        tpu.vector_store_idx %arg8[%parallel_loop3A_127], %parallel_loop3A_128 {add = true} : memref<30000xf32, #tpu.memory_space<vmem>>[vector<16xi32>], vector<16xf32>,
        %parallel_loop3A_129 = arith.constant 20000 : i32
        %parallel_loop3A_130 = vector.broadcast %parallel_loop3A_129 : i32 to vector<16xi32>
        %parallel_loop3A_131 = arith.addi %parallel_loop3A_111, %parallel_loop3A_130 : vector<16xi32>
        %parallel_loop3A_132 = arith.mulf %parallel_loop3A_123, %parallel_loop3A_115 : vector<16xf32>
        tpu.vector_store_idx %arg8[%parallel_loop3A_131], %parallel_loop3A_132 {add = true} : memref<30000xf32, #tpu.memory_space<vmem>>[vector<16xi32>], vector<16xf32>,
      } {sc.loop_unroll_factor = 8 : i64, sc.parallel_access}
    }
    %scan3A_29 = arith.constant 16 : i32
    %add3A_30 = arith.constant 0 : i32
    %add3A_31 = arith.addi %add3A_30, %add3A : i32
    %mul3A_32 = arith.constant 10000 : i32
    %mul3A_33 = arith.muli %add3A_31, %mul3A_32 : i32
    "tpu.region"() ({
      %run_scoped3A = tpu.sem_alloc : memref<!tpu.dma_semaphore, #tpu.memory_space<semaphore_mem>>
      %dma_start3A_42 = arith.constant 0 : i32
      %dma_start3A_43 = tpu.memref_slice %arg8[%dma_start3A_42] : memref<30000xf32, #tpu.memory_space<vmem>> -> memref<10000xf32, #tpu.memory_space<vmem>>
      %dma_start3A_44 = tpu.memref_slice %arg6[%mul3A_33] : memref<960000xf32, #tpu.memory_space<hbm>> -> memref<10000xf32, #tpu.memory_space<hbm>>
      %dma_start3A_45 = tpu.memref_slice %arg6[%mul3A_33] : memref<960000xf32, #tpu.memory_space<hbm>> -> memref<10000xf32, #tpu.memory_space<hbm>>
      %dma_start3A_46 = arith.constant 0 : i32
      %dma_start3A_47 = tpu.memref_slice %arg8[%dma_start3A_46] : memref<30000xf32, #tpu.memory_space<vmem>> -> memref<10000xf32, #tpu.memory_space<vmem>>
      tpu.enqueue_dma source(%dma_start3A_47 : memref<10000xf32, #tpu.memory_space<vmem>>) target(%dma_start3A_45 : memref<10000xf32, #tpu.memory_space<hbm>>) target_semaphore(%run_scoped3A : memref<!tpu.dma_semaphore, #tpu.memory_space<semaphore_mem>>)
      %dma_wait3A = arith.constant 0 : i32
      %dma_wait3A_48 = tpu.memref_slice %arg8[%dma_wait3A] : memref<30000xf32, #tpu.memory_space<vmem>> -> memref<10000xf32, #tpu.memory_space<vmem>>
      %dma_wait3A_49 = tpu.memref_slice %arg6[%mul3A_33] : memref<960000xf32, #tpu.memory_space<hbm>> -> memref<10000xf32, #tpu.memory_space<hbm>>
      %dma_wait3A_50 = tpu.memref_slice %arg6[%mul3A_33] : memref<960000xf32, #tpu.memory_space<hbm>> -> memref<10000xf32, #tpu.memory_space<hbm>>
      %dma_wait3A_51 = arith.constant 0 : i32
      %dma_wait3A_52 = tpu.memref_slice %arg8[%dma_wait3A_51] : memref<30000xf32, #tpu.memory_space<vmem>> -> memref<10000xf32, #tpu.memory_space<vmem>>
      tpu.wait_dma2 semaphore(%run_scoped3A : memref<!tpu.dma_semaphore, #tpu.memory_space<semaphore_mem>>) src(%dma_wait3A_52 : memref<10000xf32, #tpu.memory_space<vmem>>) dst(%dma_wait3A_50 : memref<10000xf32, #tpu.memory_space<hbm>>)
      tpu.yield
    }) : () -> ()
    %add3A_34 = arith.constant 32 : i32
    %add3A_35 = arith.addi %add3A_34, %add3A : i32
    %mul3A_36 = arith.constant 10000 : i32
    %mul3A_37 = arith.muli %add3A_35, %mul3A_36 : i32
    "tpu.region"() ({
      %run_scoped3A = tpu.sem_alloc : memref<!tpu.dma_semaphore, #tpu.memory_space<semaphore_mem>>
      %dma_start3A_42 = arith.constant 10000 : i32
      %dma_start3A_43 = tpu.memref_slice %arg8[%dma_start3A_42] : memref<30000xf32, #tpu.memory_space<vmem>> -> memref<10000xf32, #tpu.memory_space<vmem>>
      %dma_start3A_44 = tpu.memref_slice %arg6[%mul3A_37] : memref<960000xf32, #tpu.memory_space<hbm>> -> memref<10000xf32, #tpu.memory_space<hbm>>
      %dma_start3A_45 = tpu.memref_slice %arg6[%mul3A_37] : memref<960000xf32, #tpu.memory_space<hbm>> -> memref<10000xf32, #tpu.memory_space<hbm>>
      %dma_start3A_46 = arith.constant 10000 : i32
      %dma_start3A_47 = tpu.memref_slice %arg8[%dma_start3A_46] : memref<30000xf32, #tpu.memory_space<vmem>> -> memref<10000xf32, #tpu.memory_space<vmem>>
      tpu.enqueue_dma source(%dma_start3A_47 : memref<10000xf32, #tpu.memory_space<vmem>>) target(%dma_start3A_45 : memref<10000xf32, #tpu.memory_space<hbm>>) target_semaphore(%run_scoped3A : memref<!tpu.dma_semaphore, #tpu.memory_space<semaphore_mem>>)
      %dma_wait3A = arith.constant 10000 : i32
      %dma_wait3A_48 = tpu.memref_slice %arg8[%dma_wait3A] : memref<30000xf32, #tpu.memory_space<vmem>> -> memref<10000xf32, #tpu.memory_space<vmem>>
      %dma_wait3A_49 = tpu.memref_slice %arg6[%mul3A_37] : memref<960000xf32, #tpu.memory_space<hbm>> -> memref<10000xf32, #tpu.memory_space<hbm>>
      %dma_wait3A_50 = tpu.memref_slice %arg6[%mul3A_37] : memref<960000xf32, #tpu.memory_space<hbm>> -> memref<10000xf32, #tpu.memory_space<hbm>>
      %dma_wait3A_51 = arith.constant 10000 : i32
      %dma_wait3A_52 = tpu.memref_slice %arg8[%dma_wait3A_51] : memref<30000xf32, #tpu.memory_space<vmem>> -> memref<10000xf32, #tpu.memory_space<vmem>>
      tpu.wait_dma2 semaphore(%run_scoped3A : memref<!tpu.dma_semaphore, #tpu.memory_space<semaphore_mem>>) src(%dma_wait3A_52 : memref<10000xf32, #tpu.memory_space<vmem>>) dst(%dma_wait3A_50 : memref<10000xf32, #tpu.memory_space<hbm>>)
      tpu.yield
    }) : () -> ()
    %add3A_38 = arith.constant 64 : i32
    %add3A_39 = arith.addi %add3A_38, %add3A : i32
    %mul3A_40 = arith.constant 10000 : i32
    %mul3A_41 = arith.muli %add3A_39, %mul3A_40 : i32
    "tpu.region"() ({
      %run_scoped3A = tpu.sem_alloc : memref<!tpu.dma_semaphore, #tpu.memory_space<semaphore_mem>>
      %dma_start3A_42 = arith.constant 20000 : i32
      %dma_start3A_43 = tpu.memref_slice %arg8[%dma_start3A_42] : memref<30000xf32, #tpu.memory_space<vmem>> -> memref<10000xf32, #tpu.memory_space<vmem>>
      %dma_start3A_44 = tpu.memref_slice %arg6[%mul3A_41] : memref<960000xf32, #tpu.memory_space<hbm>> -> memref<10000xf32, #tpu.memory_space<hbm>>
      %dma_start3A_45 = tpu.memref_slice %arg6[%mul3A_41] : memref<960000xf32, #tpu.memory_space<hbm>> -> memref<10000xf32, #tpu.memory_space<hbm>>
      %dma_start3A_46 = arith.constant 20000 : i32
      %dma_start3A_47 = tpu.memref_slice %arg8[%dma_start3A_46] : memref<30000xf32, #tpu.memory_space<vmem>> -> memref<10000xf32, #tpu.memory_space<vmem>>
      tpu.enqueue_dma source(%dma_start3A_47 : memref<10000xf32, #tpu.memory_space<vmem>>) target(%dma_start3A_45 : memref<10000xf32, #tpu.memory_space<hbm>>) target_semaphore(%run_scoped3A : memref<!tpu.dma_semaphore, #tpu.memory_space<semaphore_mem>>)
      %dma_wait3A = arith.constant 20000 : i32
      %dma_wait3A_48 = tpu.memref_slice %arg8[%dma_wait3A] : memref<30000xf32, #tpu.memory_space<vmem>> -> memref<10000xf32, #tpu.memory_space<vmem>>
      %dma_wait3A_49 = tpu.memref_slice %arg6[%mul3A_41] : memref<960000xf32, #tpu.memory_space<hbm>> -> memref<10000xf32, #tpu.memory_space<hbm>>
      %dma_wait3A_50 = tpu.memref_slice %arg6[%mul3A_41] : memref<960000xf32, #tpu.memory_space<hbm>> -> memref<10000xf32, #tpu.memory_space<hbm>>
      %dma_wait3A_51 = arith.constant 20000 : i32
      %dma_wait3A_52 = tpu.memref_slice %arg8[%dma_wait3A_51] : memref<30000xf32, #tpu.memory_space<vmem>> -> memref<10000xf32, #tpu.memory_space<vmem>>
      tpu.wait_dma2 semaphore(%run_scoped3A : memref<!tpu.dma_semaphore, #tpu.memory_space<semaphore_mem>>) src(%dma_wait3A_52 : memref<10000xf32, #tpu.memory_space<vmem>>) dst(%dma_wait3A_50 : memref<10000xf32, #tpu.memory_space<hbm>>)
      tpu.yield
    }) : () -> ()
    return
  }
}

module attributes {stable_mosaic.version = 14 : i64} {
  func.func @_dense1_body(%arg0: memref<32x10000xf32, #tpu.memory_space<vmem>>, %arg1: memref<128x32xf32, #tpu.memory_space<vmem>>, %arg2: memref<128x32xf32, #tpu.memory_space<vmem>>, %arg3: memref<128x32xf32, #tpu.memory_space<vmem>>, %arg4: memref<10000x128xf32, #tpu.memory_space<vmem>>, %arg5: memref<32x10000xf32, #tpu.memory_space<vmem>>, %arg6: memref<32x10000xf32, #tpu.memory_space<vmem>>, %arg7: memref<1x10000xf32, #tpu.memory_space<vmem>>) attributes {dimension_semantics = [], scalar_prefetch = 0 : i64, scratch_operands = 0 : i64, tpu.core_type = #tpu.core_type<tc>} {
    %get3A = arith.constant 0 : index
    %get3A_0 = arith.constant 0 : index
    %get3A_1 = vector.load %arg0[%get3A, %get3A_0] : memref<32x10000xf32, #tpu.memory_space<vmem>>, vector<32x10000xf32>
    %reduce_sum3A = arith.constant dense<0.000000e+00> : vector<10000xf32>
    %reduce_sum3A_2 = vector.multi_reduction <add>, %get3A_1, %reduce_sum3A [0] : vector<32x10000xf32> to vector<10000xf32>
    %broadcast_in_dim3A = vector.shape_cast %reduce_sum3A_2 : vector<10000xf32> to vector<1x10000xf32>
    %gt3A = arith.constant 0.000000e+00 : f32
    %gt3A_3 = vector.broadcast %gt3A : f32 to vector<1x10000xf32>
    %gt3A_4 = arith.cmpf ogt, %broadcast_in_dim3A, %gt3A_3 : vector<1x10000xf32>
    %jit3A = arith.constant 1.000000e+00 : f32
    %broadcast_in_dim3A_5 = vector.broadcast %jit3A : f32 to vector<1x10000xf32>
    %select_n3A = arith.select %gt3A_4, %broadcast_in_dim3A, %broadcast_in_dim3A_5 : vector<1x10000xi1>, vector<1x10000xf32>
    %rsqrt3A = math.rsqrt %select_n3A : vector<1x10000xf32>
    %jit3A_6 = arith.constant 0.000000e+00 : f32
    %broadcast_in_dim3A_7 = vector.broadcast %jit3A_6 : f32 to vector<1x10000xf32>
    %select_n3A_8 = arith.select %gt3A_4, %rsqrt3A, %broadcast_in_dim3A_7 : vector<1x10000xi1>, vector<1x10000xf32>
    %swap3A = arith.constant 0 : index
    %swap3A_9 = arith.constant 0 : index
    %swap3A_10 = vector.load %arg7[%swap3A, %swap3A_9] : memref<1x10000xf32, #tpu.memory_space<vmem>>, vector<1x10000xf32>
    tpu.vector_store %arg7[%swap3A, %swap3A_9], %select_n3A_8 {strides = array<i32>} : memref<1x10000xf32, #tpu.memory_space<vmem>>, vector<1x10000xf32>,
    %get3A_11 = arith.constant 0 : index
    %get3A_12 = arith.constant 0 : index
    %get3A_13 = vector.load %arg4[%get3A_11, %get3A_12] : memref<10000x128xf32, #tpu.memory_space<vmem>>, vector<10000x128xf32>
    %get3A_14 = arith.constant 0 : index
    %get3A_15 = arith.constant 0 : index
    %get3A_16 = vector.load %arg1[%get3A_14, %get3A_15] : memref<128x32xf32, #tpu.memory_space<vmem>>, vector<128x32xf32>
    %dot_general3A = arith.constant dense<0.000000e+00> : vector<32x10000xf32>
    %dot_general3A_17 = tpu.matmul %get3A_16, %get3A_13, %dot_general3A {dimension_numbers = #tpu.dot_dimension_numbers<[0], [1], [1], [0], [0, 1, 1, 0], [], []>, transpose_lhs_hint = false} : vector<128x32xf32>, vector<10000x128xf32>, vector<32x10000xf32> -> vector<32x10000xf32>
    %mul3A = vector.broadcast %select_n3A_8 : vector<1x10000xf32> to vector<32x10000xf32>
    %mul3A_18 = arith.mulf %dot_general3A_17, %mul3A : vector<32x10000xf32>
    %convert_element_type3A = arith.truncf %mul3A_18 : vector<32x10000xf32> to vector<32x10000xbf16>
    %bitcast_convert_type3A = tpu.bitcast %convert_element_type3A : vector<32x10000xbf16> -> vector<32x10000xi16>
    %convert_element_type3A_19 = arith.extui %bitcast_convert_type3A : vector<32x10000xi16> to vector<32x10000xi32>
    %get3A_20 = arith.constant 0 : index
    %get3A_21 = arith.constant 0 : index
    %get3A_22 = vector.load %arg2[%get3A_20, %get3A_21] : memref<128x32xf32, #tpu.memory_space<vmem>>, vector<128x32xf32>
    %dot_general3A_23 = arith.constant dense<0.000000e+00> : vector<32x10000xf32>
    %dot_general3A_24 = tpu.matmul %get3A_22, %get3A_13, %dot_general3A_23 {dimension_numbers = #tpu.dot_dimension_numbers<[0], [1], [1], [0], [0, 1, 1, 0], [], []>, transpose_lhs_hint = false} : vector<128x32xf32>, vector<10000x128xf32>, vector<32x10000xf32> -> vector<32x10000xf32>
    %mul3A_25 = vector.broadcast %select_n3A_8 : vector<1x10000xf32> to vector<32x10000xf32>
    %mul3A_26 = arith.mulf %dot_general3A_24, %mul3A_25 : vector<32x10000xf32>
    %convert_element_type3A_27 = arith.truncf %mul3A_26 : vector<32x10000xf32> to vector<32x10000xbf16>
    %bitcast_convert_type3A_28 = tpu.bitcast %convert_element_type3A_27 : vector<32x10000xbf16> -> vector<32x10000xi16>
    %convert_element_type3A_29 = arith.extui %bitcast_convert_type3A_28 : vector<32x10000xi16> to vector<32x10000xi32>
    %shift_left3A = arith.constant 16 : i32
    %shift_left3A_30 = vector.broadcast %shift_left3A : i32 to vector<32x10000xi32>
    %shift_left3A_31 = arith.shli %convert_element_type3A_29, %shift_left3A_30 : vector<32x10000xi32>
    %or3A = arith.ori %convert_element_type3A_19, %shift_left3A_31 : vector<32x10000xi32>
    %bitcast_convert_type3A_32 = tpu.bitcast %or3A : vector<32x10000xi32> -> vector<32x10000xf32>
    %swap3A_33 = arith.constant 0 : index
    %swap3A_34 = arith.constant 0 : index
    %swap3A_35 = vector.load %arg5[%swap3A_33, %swap3A_34] : memref<32x10000xf32, #tpu.memory_space<vmem>>, vector<32x10000xf32>
    tpu.vector_store %arg5[%swap3A_33, %swap3A_34], %bitcast_convert_type3A_32 {strides = array<i32>} : memref<32x10000xf32, #tpu.memory_space<vmem>>, vector<32x10000xf32>,
    %get3A_36 = arith.constant 0 : index
    %get3A_37 = arith.constant 0 : index
    %get3A_38 = vector.load %arg3[%get3A_36, %get3A_37] : memref<128x32xf32, #tpu.memory_space<vmem>>, vector<128x32xf32>
    %dot_general3A_39 = arith.constant dense<0.000000e+00> : vector<32x10000xf32>
    %dot_general3A_40 = tpu.matmul %get3A_38, %get3A_13, %dot_general3A_39 {dimension_numbers = #tpu.dot_dimension_numbers<[0], [1], [1], [0], [0, 1, 1, 0], [], []>, transpose_lhs_hint = false} : vector<128x32xf32>, vector<10000x128xf32>, vector<32x10000xf32> -> vector<32x10000xf32>
    %mul3A_41 = vector.broadcast %select_n3A_8 : vector<1x10000xf32> to vector<32x10000xf32>
    %mul3A_42 = arith.mulf %dot_general3A_40, %mul3A_41 : vector<32x10000xf32>
    %swap3A_43 = arith.constant 0 : index
    %swap3A_44 = arith.constant 0 : index
    %swap3A_45 = vector.load %arg6[%swap3A_43, %swap3A_44] : memref<32x10000xf32, #tpu.memory_space<vmem>>, vector<32x10000xf32>
    tpu.vector_store %arg6[%swap3A_43, %swap3A_44], %mul3A_42 {strides = array<i32>} : memref<32x10000xf32, #tpu.memory_space<vmem>>, vector<32x10000xf32>,
    return
  }
}

module attributes {stable_mosaic.version = 14 : i64} {
  func.func @_dense2_body(%arg0: memref<96x10000xf32, #tpu.memory_space<vmem>>, %arg1: memref<1x10000xf32, #tpu.memory_space<vmem>>, %arg2: memref<32x10000xf32, #tpu.memory_space<vmem>>, %arg3: memref<32x32xf32, #tpu.memory_space<vmem>>, %arg4: memref<32x32xf32, #tpu.memory_space<vmem>>, %arg5: memref<32x32xf32, #tpu.memory_space<vmem>>, %arg6: memref<32x32xf32, #tpu.memory_space<vmem>>, %arg7: memref<32x32xf32, #tpu.memory_space<vmem>>, %arg8: memref<32x32xf32, #tpu.memory_space<vmem>>, %arg9: memref<32x1xf32, #tpu.memory_space<vmem>>, %arg10: memref<32x1xf32, #tpu.memory_space<vmem>>, %arg11: memref<32x1xf32, #tpu.memory_space<vmem>>, %arg12: memref<32x1xf32, #tpu.memory_space<vmem>>, %arg13: memref<32x1xf32, #tpu.memory_space<vmem>>, %arg14: memref<32x1xf32, #tpu.memory_space<vmem>>, %arg15: memref<1x32xf32, #tpu.memory_space<vmem>>, %arg16: memref<1x1xf32, #tpu.memory_space<vmem>>, %arg17: memref<32x10000xf32, #tpu.memory_space<vmem>>, %arg18: memref<1x10000xf32, #tpu.memory_space<vmem>>) attributes {dimension_semantics = [], scalar_prefetch = 0 : i64, scratch_operands = 0 : i64, tpu.core_type = #tpu.core_type<tc>} {
    %get3A = arith.constant 0 : index
    %get3A_0 = arith.constant 0 : index
    %get3A_1 = vector.load %arg1[%get3A, %get3A_0] : memref<1x10000xf32, #tpu.memory_space<vmem>>, vector<1x10000xf32>
    %get3A_2 = arith.constant 0 : index
    %get3A_3 = arith.constant 0 : index
    %get3A_4 = vector.load %arg2[%get3A_2, %get3A_3] : memref<32x10000xf32, #tpu.memory_space<vmem>>, vector<32x10000xf32>
    %get3A_5 = arith.constant 0 : index
    %get3A_6 = arith.constant 0 : index
    %get3A_7 = vector.load %arg0[%get3A_5, %get3A_6] : memref<96x10000xf32, #tpu.memory_space<vmem>>, vector<32x10000xf32>
    %mul3A = vector.broadcast %get3A_1 : vector<1x10000xf32> to vector<32x10000xf32>
    %mul3A_8 = arith.mulf %get3A_7, %mul3A : vector<32x10000xf32>
    %get3A_9 = arith.constant 0 : index
    %get3A_10 = arith.constant 0 : index
    %get3A_11 = vector.load %arg9[%get3A_9, %get3A_10] : memref<32x1xf32, #tpu.memory_space<vmem>>, vector<32x1xf32>
    %add3A = vector.broadcast %get3A_11 : vector<32x1xf32> to vector<32x10000xf32>
    %add3A_12 = arith.addf %mul3A_8, %add3A : vector<32x10000xf32>
    %get3A_13 = arith.constant 32 : index
    %get3A_14 = arith.constant 0 : index
    %get3A_15 = vector.load %arg0[%get3A_13, %get3A_14] : memref<96x10000xf32, #tpu.memory_space<vmem>>, vector<32x10000xf32>
    %mul3A_16 = vector.broadcast %get3A_1 : vector<1x10000xf32> to vector<32x10000xf32>
    %mul3A_17 = arith.mulf %get3A_15, %mul3A_16 : vector<32x10000xf32>
    %get3A_18 = arith.constant 0 : index
    %get3A_19 = arith.constant 0 : index
    %get3A_20 = vector.load %arg10[%get3A_18, %get3A_19] : memref<32x1xf32, #tpu.memory_space<vmem>>, vector<32x1xf32>
    %add3A_21 = vector.broadcast %get3A_20 : vector<32x1xf32> to vector<32x10000xf32>
    %add3A_22 = arith.addf %mul3A_17, %add3A_21 : vector<32x10000xf32>
    %get3A_23 = arith.constant 64 : index
    %get3A_24 = arith.constant 0 : index
    %get3A_25 = vector.load %arg0[%get3A_23, %get3A_24] : memref<96x10000xf32, #tpu.memory_space<vmem>>, vector<32x10000xf32>
    %mul3A_26 = vector.broadcast %get3A_1 : vector<1x10000xf32> to vector<32x10000xf32>
    %mul3A_27 = arith.mulf %get3A_25, %mul3A_26 : vector<32x10000xf32>
    %get3A_28 = arith.constant 0 : index
    %get3A_29 = arith.constant 0 : index
    %get3A_30 = vector.load %arg11[%get3A_28, %get3A_29] : memref<32x1xf32, #tpu.memory_space<vmem>>, vector<32x1xf32>
    %add3A_31 = vector.broadcast %get3A_30 : vector<32x1xf32> to vector<32x10000xf32>
    %add3A_32 = arith.addf %mul3A_27, %add3A_31 : vector<32x10000xf32>
    %get3A_33 = arith.constant 0 : index
    %get3A_34 = arith.constant 0 : index
    %get3A_35 = vector.load %arg3[%get3A_33, %get3A_34] : memref<32x32xf32, #tpu.memory_space<vmem>>, vector<32x32xf32>
    %dot_general3A = arith.constant dense<0.000000e+00> : vector<32x10000xf32>
    %dot_general3A_36 = tpu.matmul %get3A_35, %add3A_12, %dot_general3A {dimension_numbers = #tpu.dot_dimension_numbers<[1], [0], [0], [1], [0, 0, 1, 1], [], []>, transpose_lhs_hint = false} : vector<32x32xf32>, vector<32x10000xf32>, vector<32x10000xf32> -> vector<32x10000xf32>
    %get3A_37 = arith.constant 0 : index
    %get3A_38 = arith.constant 0 : index
    %get3A_39 = vector.load %arg4[%get3A_37, %get3A_38] : memref<32x32xf32, #tpu.memory_space<vmem>>, vector<32x32xf32>
    %dot_general3A_40 = arith.constant dense<0.000000e+00> : vector<32x10000xf32>
    %dot_general3A_41 = tpu.matmul %get3A_39, %get3A_4, %dot_general3A_40 {dimension_numbers = #tpu.dot_dimension_numbers<[1], [0], [0], [1], [0, 0, 1, 1], [], []>, transpose_lhs_hint = false} : vector<32x32xf32>, vector<32x10000xf32>, vector<32x10000xf32> -> vector<32x10000xf32>
    %add3A_42 = arith.addf %dot_general3A_36, %dot_general3A_41 : vector<32x10000xf32>
    %get3A_43 = arith.constant 0 : index
    %get3A_44 = arith.constant 0 : index
    %get3A_45 = vector.load %arg12[%get3A_43, %get3A_44] : memref<32x1xf32, #tpu.memory_space<vmem>>, vector<32x1xf32>
    %add3A_46 = vector.broadcast %get3A_45 : vector<32x1xf32> to vector<32x10000xf32>
    %add3A_47 = arith.addf %add3A_42, %add3A_46 : vector<32x10000xf32>
    %logistic3A = arith.negf %add3A_47 : vector<32x10000xf32>
    %logistic3A_48 = math.exp %logistic3A : vector<32x10000xf32>
    %logistic3A_49 = arith.constant 1.000000e+00 : f32
    %logistic3A_50 = vector.broadcast %logistic3A_49 : f32 to vector<32x10000xf32>
    %logistic3A_51 = arith.addf %logistic3A_50, %logistic3A_48 : vector<32x10000xf32>
    %logistic3A_52 = arith.divf %logistic3A_50, %logistic3A_51 : vector<32x10000xf32>
    %get3A_53 = arith.constant 0 : index
    %get3A_54 = arith.constant 0 : index
    %get3A_55 = vector.load %arg5[%get3A_53, %get3A_54] : memref<32x32xf32, #tpu.memory_space<vmem>>, vector<32x32xf32>
    %dot_general3A_56 = arith.constant dense<0.000000e+00> : vector<32x10000xf32>
    %dot_general3A_57 = tpu.matmul %get3A_55, %add3A_22, %dot_general3A_56 {dimension_numbers = #tpu.dot_dimension_numbers<[1], [0], [0], [1], [0, 0, 1, 1], [], []>, transpose_lhs_hint = false} : vector<32x32xf32>, vector<32x10000xf32>, vector<32x10000xf32> -> vector<32x10000xf32>
    %get3A_58 = arith.constant 0 : index
    %get3A_59 = arith.constant 0 : index
    %get3A_60 = vector.load %arg6[%get3A_58, %get3A_59] : memref<32x32xf32, #tpu.memory_space<vmem>>, vector<32x32xf32>
    %dot_general3A_61 = arith.constant dense<0.000000e+00> : vector<32x10000xf32>
    %dot_general3A_62 = tpu.matmul %get3A_60, %get3A_4, %dot_general3A_61 {dimension_numbers = #tpu.dot_dimension_numbers<[1], [0], [0], [1], [0, 0, 1, 1], [], []>, transpose_lhs_hint = false} : vector<32x32xf32>, vector<32x10000xf32>, vector<32x10000xf32> -> vector<32x10000xf32>
    %add3A_63 = arith.addf %dot_general3A_57, %dot_general3A_62 : vector<32x10000xf32>
    %get3A_64 = arith.constant 0 : index
    %get3A_65 = arith.constant 0 : index
    %get3A_66 = vector.load %arg13[%get3A_64, %get3A_65] : memref<32x1xf32, #tpu.memory_space<vmem>>, vector<32x1xf32>
    %add3A_67 = vector.broadcast %get3A_66 : vector<32x1xf32> to vector<32x10000xf32>
    %add3A_68 = arith.addf %add3A_63, %add3A_67 : vector<32x10000xf32>
    %logistic3A_69 = arith.negf %add3A_68 : vector<32x10000xf32>
    %logistic3A_70 = math.exp %logistic3A_69 : vector<32x10000xf32>
    %logistic3A_71 = arith.constant 1.000000e+00 : f32
    %logistic3A_72 = vector.broadcast %logistic3A_71 : f32 to vector<32x10000xf32>
    %logistic3A_73 = arith.addf %logistic3A_72, %logistic3A_70 : vector<32x10000xf32>
    %logistic3A_74 = arith.divf %logistic3A_72, %logistic3A_73 : vector<32x10000xf32>
    %get3A_75 = arith.constant 0 : index
    %get3A_76 = arith.constant 0 : index
    %get3A_77 = vector.load %arg7[%get3A_75, %get3A_76] : memref<32x32xf32, #tpu.memory_space<vmem>>, vector<32x32xf32>
    %dot_general3A_78 = arith.constant dense<0.000000e+00> : vector<32x10000xf32>
    %dot_general3A_79 = tpu.matmul %get3A_77, %add3A_32, %dot_general3A_78 {dimension_numbers = #tpu.dot_dimension_numbers<[1], [0], [0], [1], [0, 0, 1, 1], [], []>, transpose_lhs_hint = false} : vector<32x32xf32>, vector<32x10000xf32>, vector<32x10000xf32> -> vector<32x10000xf32>
    %get3A_80 = arith.constant 0 : index
    %get3A_81 = arith.constant 0 : index
    %get3A_82 = vector.load %arg8[%get3A_80, %get3A_81] : memref<32x32xf32, #tpu.memory_space<vmem>>, vector<32x32xf32>
    %mul3A_83 = arith.mulf %get3A_4, %logistic3A_74 : vector<32x10000xf32>
    %dot_general3A_84 = arith.constant dense<0.000000e+00> : vector<32x10000xf32>
    %dot_general3A_85 = tpu.matmul %get3A_82, %mul3A_83, %dot_general3A_84 {dimension_numbers = #tpu.dot_dimension_numbers<[1], [0], [0], [1], [0, 0, 1, 1], [], []>, transpose_lhs_hint = false} : vector<32x32xf32>, vector<32x10000xf32>, vector<32x10000xf32> -> vector<32x10000xf32>
    %add3A_86 = arith.addf %dot_general3A_79, %dot_general3A_85 : vector<32x10000xf32>
    %get3A_87 = arith.constant 0 : index
    %get3A_88 = arith.constant 0 : index
    %get3A_89 = vector.load %arg14[%get3A_87, %get3A_88] : memref<32x1xf32, #tpu.memory_space<vmem>>, vector<32x1xf32>
    %add3A_90 = vector.broadcast %get3A_89 : vector<32x1xf32> to vector<32x10000xf32>
    %add3A_91 = arith.addf %add3A_86, %add3A_90 : vector<32x10000xf32>
    %tanh3A = math.tanh %add3A_91 : vector<32x10000xf32>
    %mul3A_92 = arith.mulf %logistic3A_52, %get3A_4 : vector<32x10000xf32>
    %sub3A = arith.constant 1.000000e+00 : f32
    %sub3A_93 = vector.broadcast %sub3A : f32 to vector<32x10000xf32>
    %sub3A_94 = arith.subf %sub3A_93, %logistic3A_52 : vector<32x10000xf32>
    %mul3A_95 = arith.mulf %sub3A_94, %tanh3A : vector<32x10000xf32>
    %add3A_96 = arith.addf %mul3A_92, %mul3A_95 : vector<32x10000xf32>
    %swap3A = arith.constant 0 : index
    %swap3A_97 = arith.constant 0 : index
    %swap3A_98 = vector.load %arg17[%swap3A, %swap3A_97] : memref<32x10000xf32, #tpu.memory_space<vmem>>, vector<32x10000xf32>
    tpu.vector_store %arg17[%swap3A, %swap3A_97], %add3A_96 {strides = array<i32>} : memref<32x10000xf32, #tpu.memory_space<vmem>>, vector<32x10000xf32>,
    %get3A_99 = arith.constant 0 : index
    %get3A_100 = arith.constant 0 : index
    %get3A_101 = vector.load %arg15[%get3A_99, %get3A_100] : memref<1x32xf32, #tpu.memory_space<vmem>>, vector<1x32xf32>
    %max3A = arith.constant 0.000000e+00 : f32
    %max3A_102 = vector.broadcast %max3A : f32 to vector<32x10000xf32>
    %max3A_103 = arith.maximumf %add3A_96, %max3A_102 : vector<32x10000xf32>
    %dot_general3A_104 = arith.constant dense<0.000000e+00> : vector<1x10000xf32>
    %dot_general3A_105 = tpu.matmul %get3A_101, %max3A_103, %dot_general3A_104 {dimension_numbers = #tpu.dot_dimension_numbers<[1], [0], [0], [1], [0, 0, 1, 1], [], []>, transpose_lhs_hint = false} : vector<1x32xf32>, vector<32x10000xf32>, vector<1x10000xf32> -> vector<1x10000xf32>
    %get3A_106 = arith.constant 0 : index
    %get3A_107 = arith.constant 0 : index
    %get3A_108 = vector.load %arg16[%get3A_106, %get3A_107] : memref<1x1xf32, #tpu.memory_space<vmem>>, vector<1x1xf32>
    %add3A_109 = vector.broadcast %get3A_108 : vector<1x1xf32> to vector<1x10000xf32>
    %add3A_110 = arith.addf %dot_general3A_105, %add3A_109 : vector<1x10000xf32>
    %swap3A_111 = arith.constant 0 : index
    %swap3A_112 = arith.constant 0 : index
    %swap3A_113 = vector.load %arg18[%swap3A_111, %swap3A_112] : memref<1x10000xf32, #tpu.memory_space<vmem>>, vector<1x10000xf32>
    tpu.vector_store %arg18[%swap3A_111, %swap3A_112], %add3A_110 {strides = array<i32>} : memref<1x10000xf32, #tpu.memory_space<vmem>>, vector<1x10000xf32>,
    return
  }
}

</mosaic_0001>

<sc_bundles>
// kernel: kernel.6.cloned.1.call-start
scs
__scs_entry_jumppad:
0x0: {  	(pc) =	sbr.rel $0x88, $3  }
0x1: {  	(tag) =	ssettag $0x0;
	lr =	simm.s32 $0x1  }
0x2: {  	[smem:$0x3F8F] =	sst lr;
	_ =	strace $0xD0000000  }
0x3: {  	_ = 	snop  }
0x4: {  	_ = 	snop  }
0x5: {  	_ = 	snop  }
0x6: {  	_ = 	snop  }
0x7: {  	_ = 	snop  }
__scs_overlays_trampoline_lowered:
0x8: {  	[smem:$0x3F9E] =	sst s0  }
0x9: {  	[smem:$0x3F9F] =	sst s1  }
0xa: {  	[smem:$0x3FA0] =	sst s2  }
0xb: {  	[smem:$0x3FA1] =	sst s3  }
0xc: {  	[smem:$0x3FA2] =	sst s4  }
0xd: {  	[smem:$0x3FA3] =	sst s5  }
0xe: {  	[smem:$0x3FA4] =	sst s6  }
0xf: {  	[smem:$0x3FA5] =	sst s7  }
0x10: {  	[smem:$0x3FA6] =	sst s8  }
0x11: {  	[smem:$0x3FA7] =	sst s9;
	s0 =	simm.s32 @!p0 $0x0  }
0x12: {  	s1 =	sld [smem:$0x3F8D];
	s0 =	simm.s32 @p0 $0x1  }
0x13: {  	[smem:$0x3FA8] =	sst s0;
	s0 =	simm.s32 @!p1 $0x0  }
0x14: {  	s2 =	sld [smem:$0x3F8C];
	s0 =	simm.s32 @p1 $0x1  }
0x15: {  	[smem:$0x3FA9] =	sst s0;
	s0 =	simm.s32 @!p2 $0x0  }
0x16: {  	s3 =	sld [smem:$0x3FDB];
	s0 =	simm.s32 @p2 $0x1  }
0x17: {  	s4 =	simm.s32 $0x1BF5;
	[smem:$0x3FAB] =	sst s0  }
0x18: {  	s0 =	sld [smem:$0x3F8E];
	_ =	swait.ge [sflag:s4], $0x0  }
0x19: {  	s7 =	sld [smem:$0x3F8F]  }
0x1a: {  	s8 =	sadd.s32 $0xFFFFE003, lr  }
0x1b: {  	s9 =	sadd.s32 $0xFFFFFEF7, lr;
	s5 =	simm.s32 $0xFFFFFFFF;
	p2 =	slt.u32 s8, $0xFFFFF086  }
0x1c: {  	p1 =	slt.u32 s9, $0xF7A;
	s5 =	simm.s32 @!p2 $0x0  }
0x1d: {  	s5 =	simm.s32 @p1 $0x1;
	p0 =	seq.s32 s7, s2  }
0x1e: {  	s7 =	smul.u32 @!p0 $0xF7A, s2;
	p2 =	seq.s32 @!p0 s5, $0x0  }
0x1f: {  	s9 =	smul.u32 $0xF7A, s1;
	s8 =	simm.s32 @!p0 $0x1BF5;
	p2 =	por !p2, p0  }
0x20: {  	[sflag:s8] =	ssyncset.s32 @!p0 $0xFFFFF086;
	s6 =	sadd.s32 @!p0 s3, s7;
	s7 =	simm.s32 @!p0 $0x108  }
0x21: {  	s3 =	sadd.s32 s3, s9;
	s6 =	sadd.s32 @!p0 $0x88, s6;
	s7 =	simm.s32 @p2 $0x1082  }
0x22: {  	[simem:s7], [sflag:s8] =	dma.local @!p0 [hbm:s6], $0xF7A  }
0x23: {  	s9 =	sor.u32 $0xD0000000, s2;
	s6 =	simm.s32 $0x108;
	_ =	swait.ge @!p0 [sflag:s8], $0x0  }
0x24: {  	s3 =	sadd.s32 $0x88, s3;
	s6 =	simm.s32 @!p1 $0x1082;
	[sflag:s4] =	ssyncset.s32 $0xFFFFF086  }
0x25: {  	[simem:s6], [sflag:s4] =	dma.local [hbm:s3], $0xF7A  }
0x26: {  	[smem:$0x3F8F] =	sst s1;
	(tag) =	ssettag s2;
	_ =	strace s9  }
0x27: {  	s1 =	sld [smem:$0x3F9F]  }
0x28: {  	s2 =	sld [smem:$0x3FA0]  }
0x29: {  	s4 =	sld [smem:$0x3FA2]  }
0x2a: {  	p0 =	seq.s32 s5, $0x0;
	s5 =	sld [smem:$0x3FA3]  }
0x2b: {  	s6 =	sld [smem:$0x3FA4]  }
0x2c: {  	s7 =	sld [smem:$0x3FA5]  }
0x2d: {  	s3 =	simm.s32 $0x108;
	s8 =	sld [smem:$0x3FA6]  }
0x2e: {  	s3 =	simm.s32 @!p0 $0x1082;
	s9 =	sld [smem:$0x3FA7]  }
0x2f: {  	lr =	sadd.s32 s0, s3;
	s0 =	sld [smem:$0x3F9E]  }
0x30: {  	s3 =	sld [smem:$0x3FA1]  }
0x31: {  	[smem:$0x3FAA] =	sst s10  }
0x32: {  	s10 =	sld [smem:$0x3FA8];
	_ =	sdelay $0x3  }
0x33: {  	p0 =	seq.s32 s10, $0x1;
	s10 =	sld [smem:$0x3FAA];
	_ =	sdelay $0x3  }
0x34: {  	[smem:$0x3FAA] =	sst s10  }
0x35: {  	s10 =	sld [smem:$0x3FA9];
	_ =	sdelay $0x3  }
0x36: {  	p1 =	seq.s32 s10, $0x1;
	s10 =	sld [smem:$0x3FAA];
	_ =	sdelay $0x3  }
0x37: {  	[smem:$0x3FAA] =	sst s10  }
0x38: {  	s10 =	sld [smem:$0x3FAB]  }
0x39: {  	_ = 	snop;
	(pc) =	sbr.ind lr, $3  }
0x3a: {  	_ = 	snop  }
0x3b: {  	_ = 	snop  }
0x3c: {  	p2 =	seq.s32 s10, $0x1;
	s10 =	sld [smem:$0x3FAA]  }
0x3d: {  	_ =	shalt  }
0x3e: {  	_ =	shalt  }
0x3f: {  	_ =	shalt  }
0x40: {  	_ =	shalt  }
0x41: {  	_ =	shalt  }
0x42: {  	_ =	shalt  }
0x43: {  	_ =	shalt  }
0x44: {  	_ =	shalt  }
0x45: {  	_ =	shalt  }
0x46: {  	_ =	shalt  }
0x47: {  	_ =	shalt  }
0x48: {  	_ =	shalt  }
0x49: {  	_ =	shalt  }
0x4a: {  	_ =	shalt  }
0x4b: {  	_ =	shalt  }
0x4c: {  	_ =	shalt  }
0x4d: {  	_ =	shalt  }
0x4e: {  	_ =	shalt  }
0x4f: {  	_ =	shalt  }
0x50: {  	_ =	shalt  }
0x51: {  	_ =	shalt  }
0x52: {  	_ =	shalt  }
0x53: {  	_ =	shalt  }
0x54: {  	_ =	shalt  }
0x55: {  	_ =	shalt  }
0x56: {  	_ =	shalt  }
0x57: {  	_ =	shalt  }
0x58: {  	_ =	shalt  }
0x59: {  	_ =	shalt  }
0x5a: {  	_ =	shalt  }
0x5b: {  	_ =	shalt  }
0x5c: {  	_ =	shalt  }
0x5d: {  	_ =	shalt  }
0x5e: {  	_ =	shalt  }
0x5f: {  	_ =	shalt  }
0x60: {  	_ =	shalt  }
0x61: {  	_ =	shalt  }
0x62: {  	_ =	shalt  }
0x63: {  	_ =	shalt  }
0x64: {  	_ =	shalt  }
0x65: {  	_ =	shalt  }
0x66: {  	_ =	shalt  }
0x67: {  	_ =	shalt  }
0x68: {  	_ =	shalt  }
0x69: {  	_ =	shalt  }
0x6a: {  	_ =	shalt  }
0x6b: {  	_ =	shalt  }
0x6c: {  	_ =	shalt  }
0x6d: {  	_ =	shalt  }
0x6e: {  	_ =	shalt  }
0x6f: {  	_ =	shalt  }
0x70: {  	_ =	shalt  }
0x71: {  	_ =	shalt  }
0x72: {  	_ =	shalt  }
0x73: {  	_ =	shalt  }
0x74: {  	_ =	shalt  }
0x75: {  	_ =	shalt  }
0x76: {  	_ =	shalt  }
0x77: {  	_ =	shalt  }
0x78: {  	_ =	shalt  }
0x79: {  	_ =	shalt  }
0x7a: {  	_ =	shalt  }
0x7b: {  	_ =	shalt  }
0x7c: {  	_ =	shalt  }
0x7d: {  	_ =	shalt  }
0x7e: {  	_ =	shalt  }
0x7f: {  	_ =	shalt  }
0x80: {  	_ =	shalt  }
0x81: {  	_ =	shalt  }
0x82: {  	_ =	shalt  }
0x83: {  	_ =	shalt  }
0x84: {  	_ =	shalt  }
0x85: {  	_ =	shalt  }
0x86: {  	_ =	shalt  }
0x87: {  	_ =	shalt  }
.Lfunc_end0:
.L_simem_size_0:
called_computation_lowered:
.L_overlay_start_0:
0x88: {  	s2 =	sld [smem:$0x3FD9]  }
0x89: {  	s3 =	sld [smem:$0x3FFE];
	_ =	sdelay $0x1  }
0x8a: {  	s1 =	srdreg.scid  }
0x8b: {  	s0 =	sand.u32 $0x1, s1  }
0x8c: {  	s14 =	sshll.u32 s0, $0xA;
	s2 =	sadd.s32 s3, s2  }
0x8d: {  	s2 =	sadd.s32 s2, s14  }
0x8e: {  	[smem:$0x3FB6] =	sst s2  }
0x8f: {  	_ = 	snop  }
0x90: {  	s2 =	sld [smem:$0x3FD0];
	_ =	sdelay $0x2  }
0x91: {  	s4 =	simm.s32 $0xA;
	s5 =	simm.s32 $0x10;
	s15 =	sld [smem:$0x3FC7]  }
0x92: {  	[smem:s5], [sflag:s4] =	dma.local [hbm:s2], $0x1  }
0x93: {  	_ =	swait.eq [sflag:s4], $0x1  }
0x94: {  	[sflag:s4] =	ssyncset.done $0x0  }
0x95: {  	[sflag:s4] =	ssyncadd.s32 $0xFFFFFFFF  }
0x96: {  	s16 =	sld [smem:$0x11];
	(tm) =	ssettm $0x1  }
0x97: {  	s17 =	sld [smem:$0x3FFB];
	_ =	sdelay $0x3  }
0x98: {  	_ =	strace s17  }
0x99: {  	s4 =	sld [smem:$0x3FFC];
	_ =	sdelay $0x3  }
0x9a: {  	_ =	strace s4  }
0x9b: {  	s4 =	sld [smem:$0x3FFD];
	_ =	sdelay $0x3  }
0x9c: {  	_ =	strace s4  }
0x9d: {  	_ =	strace $0x8FFFFFFF  }
0x9e: {  	s18 =	sld [smem:$0x3FDB];
	_ =	sdelay $0x1  }
0x9f: {  	s19 =	simm.s32 $_scs_section_size  }
0xa0: {  	s6 =	simm.s32 $_size__tile_overlayer_lowered;
	s7 =	simm.s32 $_tile_overlayer_lowered  }
0xa1: {  	s22 =	simm.s32 $0x1BFF;
	s21 =	sshll.u32 s7, $0x1;
	s4 =	sadd.s32 s19, s18  }
0xa2: {  	s8 =	simm.s32 $0x0;
	s20 =	sshll.u32 s6, $0x1;
	s6 =	sadd.s32 s21, s4  }
0xa3: {  	[timem:s8], [sflag:s22] =	dma.local [hbm:s6], s20  }
0xa4: {  	_ =	swait.ge [sflag:s22], s20  }
0xa5: {  	s5 =	ssub.s32 $0x0, s20;
	[sflag:s22] =	ssyncset.done $0x0  }
0xa6: {  	[sflag:s22] =	ssyncadd.s32 s5;
	_ =	sdelay $0x1  }
0xa7: {  	s23 =	simm.s32 $0x1B8B  }
0xa8: {  	_ =	swait.ge [sflag:s23], $0x1  }
0xa9: {  	[sflag:s23] =	ssyncset.done $0x0  }
0xaa: {  	s25 =	simm.s32 $0x1B8E;
	s24 =	sld [smem:$0x3FFE];
	[sflag:s23] =	ssyncadd.s32 $0xFFFFFFFF  }
0xab: {  	s26 =	simm.s32 $execute0_lowered;
	[smem:$0x3FD2] =	sst s25  }
0xac: {  	s6 =	sshll.u32 s26, $0x1;
	_ =	strace $0x80000046;
	[dreg:$0x1] =	wrdreg $0xFFFFFFFF  }
0xad: {  	s28 =	simm.s32 $_size_execute0_lowered;
	s4 =	sadd.s32 s4, s6;
	[dreg:$0x0] =	wrdreg $0x0  }
0xae: {  	s6 =	sshll.u32 s28, $0x1;
	[dreg:$0x2] =	wrdreg s4  }
0xaf: {  	[dreg:$0x3] =	wrdreg s6  }
0xb0: {  	[dreg:$0x4] =	wrdreg $0xC0  }
0xb1: {  	_ =	task [dreg:s8], $0x5FFFF  }
0xb2: {  	[dreg:$0x1] =	wrdreg $0xFFFFFFFF  }
0xb3: {  	[dreg:$0x0] =	wrdreg $0x60  }
0xb4: {  	[dreg:$0x2] =	wrdreg s24  }
0xb5: {  	[dreg:$0x3] =	wrdreg s15  }
0xb6: {  	[dreg:$0x4] =	wrdreg s16  }
0xb7: {  	[dreg:$0x5] =	wrdreg $0x9  }
0xb8: {  	_ =	task.clear_ibuf [dreg:s8], $0x6FFFF;
	_ =	strace $0x90000046  }
0xb9: {  	s29 =	simm.s32 $0x9;
	_ =	strace $0x80000048  }
0xba: {  	_ =	swait.ge [sflag:s29], $0x1  }
0xbb: {  	[sflag:s29] =	ssyncadd.s32 $0xFFFFFFFF  }
0xbc: {  	_ =	strace $0x90000048  }
0xbd: {  	_ =	sfence  }
0xbe: {  	s30 =	sld [smem:$0x0];
	_ =	sdelay $0x2  }
0xbf: {  	s31 =	sshll.u32 s1, $0xD;
	s1 =	sshrl.u32 s1, $0x2  }
0xc0: {  	s3 =	sand.u32 $0x4000, s31;
	s1 =	sadd.s32 s1, s30  }
0xc1: {  	s0 =	sor.u32 s3, s0;
	s1 =	sshll.u32 s1, $0x11  }
0xc2: {  	s0 =	sor.u32 s1, s0  }
0xc3: {  	s0 =	sadd.s32 $0x8F2B, s0  }
0xc4: {  	[sflag:s0] =	ssyncadd.remote.s32 $0x1  }
0xc5: {  	_ =	sfence.sel $0xFFFF  }
0xc6: {  	[dreg:$0x0] =	wrdreg $0xFFFFFFFF;
	(pc) =	sbr.abs _section_cstart, $3  }
0xc7: {  	[dreg:$0x1] =	wrdreg $0xFFFFFFFF  }
0xc8: {  	_ =	task.clear_ibuf [dreg:s8], $0x2FFFF;
	_ =	strace $0x9FFFFFFF  }
0xc9: {  	(tm) =	ssettm $0x7FFFFFFF  }
tec
execute0_lowered:
.L_overlay_start_1:
0x0: {  	(tag) =	ssettag $0x1  }
0x1: {  	s3 =	rddreg [dreg:$0x0]  }
0x2: {  	s4 =	rddreg [dreg:$0x1]  }
0x3: {  	s1 =	srdreg.scid;
	s0 =	stileid.u32  }
0x4: {  	s5 =	rddreg [dreg:$0x2];
	s2 =	simm.s32 $0x0;
	s11 =	simm.s32 $0x400  }
0x5: {  	s12 =	simm.s32 $0x0;
	s6 =	sand.u32 $0x1, s1;
	s1 =	rddreg [dreg:$0x3]  }
0x6: {  	s7 =	sshll.u32 s0, $0x1;
	[smem:$0x7FF] =	sst s2;
	s9 =	sshrl.u32 s0, $0x2  }
0x7: {  	s7 =	sor.u32 s6, s7;
	s9 =	smul.u32 $0x13C00, s9;
	s6 =	ssub.s32 $0x2, s6  }
0x8: {  	s8 =	smul.u32 $0x2710, s7;
	s7 =	sshll.u32 s7, $0x7;
	s10 =	sshrl.u32 s6, $0x1  }
0x9: {  	_ =	strace $0x80000047;
	s7 =	sand.u32 $0x380, s7;
	s6 =	ssub.s32 s6, s10  }
0xa: {  	s10 =	simm.s32 $0x80;
	s8 =	sshrl.u32 s8, $0x3;
	s7 =	sor.u32 s9, s7  }
0xb: {  	s6 =	smax.u32 s6, $0x1;
	s9 =	simm.s32 $0x4F00;
	s3 =	sadd.s32 s3, s8  }
0xc: {  	s7 =	sshrl.u32 s7, $0x3;
	s4 =	sadd.s32 s4, s8;
	s8 =	simm.s32 $0x2780  }
0xd: {  	v0 =	vimm.f32 $0.0e+00;
	s3 =	sadd.s32 $0xD240, s3;
	s5 =	sadd.s32 s5, s7;
	s7 =	simm.s32 $0x1  }
.LBB2_1:
0xe: {  	[tilespmem:s2], [sflag:$0x1] =	stream.linear.gather [hbm4b:s3+s2], $0x2710, $0x38;
	[tilespmem:$0x7680] =	vst v63  }
0xf: {  	_ =	swait.ge [sflag:s7], $0x2710  }
0x10: {  	[sflag:s7] =	ssyncset.done $0x0  }
0x11: {  	[sflag:s7] =	ssyncadd.s32 $0xFFFFD8F0  }
0x12: {  	[tilespmem:s8], [sflag:$0x1] =	stream.linear.gather [hbm4b:s4+s2], $0x2710, $0x38;
	[tilespmem:$0x7680] =	vst v63  }
0x13: {  	_ =	swait.ge [sflag:s7], $0x2710  }
0x14: {  	[sflag:s7] =	ssyncset.done $0x0  }
0x15: {  	s13 =	simm.s32 $0x4F40;
	[sflag:s7] =	ssyncadd.s32 $0xFFFFD8F0  }
0x16: {  	[tilespmem:s13+$0xFFFFFFC0] =	vst v0  }
0x17: {  	[tilespmem:s13+$0x30] =	vst v0  }
0x18: {  	[tilespmem:s13+$0x20] =	vst v0  }
0x19: {  	[tilespmem:s13+$0x10] =	vst v0  }
0x1a: {  	[tilespmem:s13+$0x0] =	vst v0  }
0x1b: {  	[tilespmem:s13+$0xFFFFFFF0] =	vst v0  }
0x1c: {  	s14 =	simm.s32 $0x0;
	[tilespmem:s13+$0xFFFFFFE0] =	vst v0  }
.LBB2_2:
0x1d: {  	s14 =	sadd.s32 $0x8, s14;
	[tilespmem:s13+$0xFFFFFFD0] =	vst v0;
	s13 =	sadd.s32 $0x80, s13  }
0x1e: {  	[tilespmem:s13+$0xFFFFFFC0] =	vst v0;
	p0 =	slt.u32 s14, $0x268  }
0x1f: {  	[tilespmem:s13+$0x30] =	vst v0  }
.Ltmp0:
0x20: {  	[tilespmem:s13+$0x20] =	vst v0;
	(pc) =	sbr.rel @p0 .LBB2_2-.Ltmp0, $4  }
0x21: {  	[tilespmem:s13+$0x10] =	vst v0  }
0x22: {  	[tilespmem:s13+$0x0] =	vst v0  }
0x23: {  	[tilespmem:s13+$0xFFFFFFF0] =	vst v0  }
0x24: {  	[tilespmem:s13+$0xFFFFFFE0] =	vst v0  }
0x25: {  	[tilespmem:s13+$0xFFFFFFD0] =	vst v0  }
0x26: {  	s14 =	simm.s32 $0x40;
	[tilespmem:$0x7600] =	vst v0  }
0x27: {  	v1 =	vld [tilespmem:s14+$0x30]  }
0x28: {  	v2 =	vld [tilespmem:s14+$0xFFFFFFD0]  }
0x29: {  	s13 =	simm.s32 $0x27C0;
	v3 =	vld [tilespmem:s14+$0xFFFFFFE0]  }
0x2a: {  	v4 =	vld [tilespmem:s13+$0x30]  }
0x2b: {  	v5 =	vld [tilespmem:s14+$0xFFFFFFF0]  }
0x2c: {  	v6 =	vld [tilespmem:s14+$0x0]  }
0x2d: {  	v7 =	vld [tilespmem:s14+$0x10]  }
0x2e: {  	v8 =	vld [tilespmem:s14+$0x20]  }
0x2f: {  	v63 =	vld [tilespmem:s13+$0xFFFFFFC0]  }
0x30: {  	v9 =	vld [tilespmem:s13+$0xFFFFFFD0]  }
0x31: {  	v10 =	vld [tilespmem:s13+$0xFFFFFFE0]  }
0x32: {  	v11 =	vld [tilespmem:s13+$0xFFFFFFF0]  }
0x33: {  	v12 =	vld [tilespmem:s13+$0x0]  }
0x34: {  	v13 =	vld [tilespmem:s13+$0x10]  }
0x35: {  	[tilespmem:v1+s9+$0x0] =	vst.idx.add.f32.msk $0xffff, v4  }
0x36: {  	v1 =	vld [tilespmem:s14+$0xFFFFFFC0]  }
0x37: {  	v14 =	vld [tilespmem:s13+$0x20]  }
0x38: {  	[tilespmem:v2+s9+$0x0] =	vst.idx.add.f32.msk $0xffff, v9  }
0x39: {  	[tilespmem:v3+s9+$0x0] =	vst.idx.add.f32.msk $0xffff, v10  }
0x3a: {  	[tilespmem:v5+s9+$0x0] =	vst.idx.add.f32.msk $0xffff, v11  }
0x3b: {  	[tilespmem:v6+s9+$0x0] =	vst.idx.add.f32.msk $0xffff, v12  }
0x3c: {  	[tilespmem:v7+s9+$0x0] =	vst.idx.add.f32.msk $0xffff, v13  }
0x3d: {  	[tilespmem:v8+s9+$0x0] =	vst.idx.add.f32.msk $0xffff, v14  }
0x3e: {  	s15 =	simm.s32 $0xC0;
	s14 =	simm.s32 $0x0;
	[tilespmem:v1+s9+$0x0] =	vst.idx.add.f32.msk $0xffff, v63  }
.LBB2_4:
0x3f: {  	v1 =	vld [tilespmem:s15+$0x30];
	s14 =	sadd.s32 $0x8, s14  }
0x40: {  	v2 =	vld [tilespmem:s15+$0xFFFFFFD0];
	p0 =	slt.u32 s14, $0x268  }
0x41: {  	s13 =	sadd.s32 $0x80, s13;
	v3 =	vld [tilespmem:s15+$0xFFFFFFE0]  }
0x42: {  	v4 =	vld [tilespmem:s13+$0x30]  }
0x43: {  	v5 =	vld [tilespmem:s15+$0xFFFFFFF0]  }
0x44: {  	v6 =	vld [tilespmem:s15+$0x0]  }
0x45: {  	v7 =	vld [tilespmem:s15+$0x10]  }
0x46: {  	v8 =	vld [tilespmem:s15+$0x20]  }
0x47: {  	[tilespmem:v1+s9+$0x0] =	vst.idx.add.f32.msk $0xffff, v4  }
0x48: {  	v1 =	vld [tilespmem:s15+$0xFFFFFFC0]  }
0x49: {  	v4 =	vld [tilespmem:s13+$0xFFFFFFC0]  }
0x4a: {  	v9 =	vld [tilespmem:s13+$0xFFFFFFD0]  }
0x4b: {  	v10 =	vld [tilespmem:s13+$0xFFFFFFE0]  }
0x4c: {  	v11 =	vld [tilespmem:s13+$0xFFFFFFF0]  }
0x4d: {  	v12 =	vld [tilespmem:s13+$0x0]  }
0x4e: {  	v13 =	vld [tilespmem:s13+$0x10]  }
0x4f: {  	v14 =	vld [tilespmem:s13+$0x20]  }
0x50: {  	[tilespmem:v1+s9+$0x0] =	vst.idx.add.f32.msk $0xffff, v4  }
0x51: {  	[tilespmem:v2+s9+$0x0] =	vst.idx.add.f32.msk $0xffff, v9  }
.Ltmp1:
0x52: {  	[tilespmem:v3+s9+$0x0] =	vst.idx.add.f32.msk $0xffff, v10;
	(pc) =	sbr.rel @p0 .LBB2_4-.Ltmp1, $4  }
0x53: {  	[tilespmem:v5+s9+$0x0] =	vst.idx.add.f32.msk $0xffff, v11  }
0x54: {  	[tilespmem:v6+s9+$0x0] =	vst.idx.add.f32.msk $0xffff, v12  }
0x55: {  	[tilespmem:v7+s9+$0x0] =	vst.idx.add.f32.msk $0xffff, v13  }
0x56: {  	s15 =	sadd.s32 $0x80, s15;
	[tilespmem:v8+s9+$0x0] =	vst.idx.add.f32.msk $0xffff, v14  }
0x57: {  	v1 =	vld [tilespmem:$0x2700];
	_ =	sdelay $0x2  }
0x58: {  	v2 =	vld [tilespmem:$0x4E80];
	_ =	sdelay $0x2  }
0x59: {  	s12 =	sadd.s32 $0x1, s12  }
0x5a: {  	p0 =	sne.s32 s12, s6  }
.Ltmp2:
0x5b: {  	[tilespmem:v1+s9+$0x0] =	vst.idx.add.f32.msk $0xffff, v2;
	(pc) =	sbr.rel @p0 .LBB2_1-.Ltmp2, $4  }
0x5c: {  	[hbm4b:s5+s10] =	stream.strided.scatter [tilespmem:s9], [sflag:$0x1], $0x2780, s11, s10, $0x38;
	[tilespmem:$0x7680] =	vst v63  }
0x5d: {  	_ =	swait.ge [sflag:s7], $0x2780  }
0x5e: {  	[sflag:s7] =	ssyncset.done $0x0  }
0x5f: {  	[sflag:s7] =	ssyncadd.s32 $0xFFFFD880  }
0x60: {  	_ =	sfence.sel $0x180000  }
0x61: {  	[bflag:$0x0] =	sbarrier.arrive $0xFFFF  }
0x62: {  	p0 =	sne.s32 s0, $0x0;
	_ =	strace $0x90000047  }
0x63: {  	s0 =	sadd.s32 @!p0 $0x100000, s1;
	[bflag:$0x2] =	sbarrier.arrive $0xFFFF  }
0x64: {  	[sflag:s0] =	ssyncadd.tile.s32 @!p0 $0x1;
	_ =	shalt  }
.Lfunc_end2:
_tile_overlayer_lowered:
.L_overlay_start_2:
0x65: {  	(tag) =	ssettag $0x2  }
0x66: {  	s0 =	rddreg [dreg:$0x0];
	s2 =	stileid.u32  }
0x67: {  	s1 =	rddreg [dreg:$0x1];
	p0 =	sne.s32 s2, $0x0  }
0x68: {  	s3 =	rddreg [dreg:$0x2];
	[bflag:$0x3] =	sbarrier.arrive $0xFFFF;
	s2 =	simm.s32 @!p0 $0x1C01  }
0x69: {  	[timem:s3], [sflag:s2] =	dma.local @!p0 [hbm:s0], s1  }
0x6a: {  	s0 =	simm.s32 @!p0 $0x1  }
0x6b: {  	_ =	swait.ge @!p0 [sflag:s0], s1  }
0x6c: {  	s1 =	ssub.s32 @!p0 $0x0, s1;
	[sflag:s0] =	ssyncset.done @!p0 $0x0  }
0x6d: {  	[sflag:s0] =	ssyncadd.s32 @!p0 s1  }
0x6e: {  	[bflag:$0x3] =	sbarrier.arrive $0xFFFF  }
0x6f: {  	_ =	shalt  }

// kernel: kernel.9.cloned.1.call-start
scs
__scs_entry_jumppad:
0x0: {  	(pc) =	sbr.rel $0x88, $3  }
0x1: {  	(tag) =	ssettag $0x0;
	lr =	simm.s32 $0x1  }
0x2: {  	[smem:$0x3F8F] =	sst lr;
	_ =	strace $0xD0000000  }
0x3: {  	_ = 	snop  }
0x4: {  	_ = 	snop  }
0x5: {  	_ = 	snop  }
0x6: {  	_ = 	snop  }
0x7: {  	_ = 	snop  }
__scs_overlays_trampoline_lowered:
0x8: {  	[smem:$0x3F9E] =	sst s0  }
0x9: {  	[smem:$0x3F9F] =	sst s1  }
0xa: {  	[smem:$0x3FA0] =	sst s2  }
0xb: {  	[smem:$0x3FA1] =	sst s3  }
0xc: {  	[smem:$0x3FA2] =	sst s4  }
0xd: {  	[smem:$0x3FA3] =	sst s5  }
0xe: {  	[smem:$0x3FA4] =	sst s6  }
0xf: {  	[smem:$0x3FA5] =	sst s7  }
0x10: {  	[smem:$0x3FA6] =	sst s8  }
0x11: {  	[smem:$0x3FA7] =	sst s9;
	s0 =	simm.s32 @!p0 $0x0  }
0x12: {  	s1 =	sld [smem:$0x3F8D];
	s0 =	simm.s32 @p0 $0x1  }
0x13: {  	[smem:$0x3FA8] =	sst s0;
	s0 =	simm.s32 @!p1 $0x0  }
0x14: {  	s2 =	sld [smem:$0x3F8C];
	s0 =	simm.s32 @p1 $0x1  }
0x15: {  	[smem:$0x3FA9] =	sst s0;
	s0 =	simm.s32 @!p2 $0x0  }
0x16: {  	s3 =	sld [smem:$0x3FDB];
	s0 =	simm.s32 @p2 $0x1  }
0x17: {  	s4 =	simm.s32 $0x1BF5;
	[smem:$0x3FAB] =	sst s0  }
0x18: {  	s0 =	sld [smem:$0x3F8E];
	_ =	swait.ge [sflag:s4], $0x0  }
0x19: {  	s7 =	sld [smem:$0x3F8F]  }
0x1a: {  	s8 =	sadd.s32 $0xFFFFE003, lr  }
0x1b: {  	s9 =	sadd.s32 $0xFFFFFEF7, lr;
	s5 =	simm.s32 $0xFFFFFFFF;
	p2 =	slt.u32 s8, $0xFFFFF086  }
0x1c: {  	p1 =	slt.u32 s9, $0xF7A;
	s5 =	simm.s32 @!p2 $0x0  }
0x1d: {  	s5 =	simm.s32 @p1 $0x1;
	p0 =	seq.s32 s7, s2  }
0x1e: {  	s7 =	smul.u32 @!p0 $0xF7A, s2;
	p2 =	seq.s32 @!p0 s5, $0x0  }
0x1f: {  	s9 =	smul.u32 $0xF7A, s1;
	s8 =	simm.s32 @!p0 $0x1BF5;
	p2 =	por !p2, p0  }
0x20: {  	[sflag:s8] =	ssyncset.s32 @!p0 $0xFFFFF086;
	s6 =	sadd.s32 @!p0 s3, s7;
	s7 =	simm.s32 @!p0 $0x108  }
0x21: {  	s3 =	sadd.s32 s3, s9;
	s6 =	sadd.s32 @!p0 $0x88, s6;
	s7 =	simm.s32 @p2 $0x1082  }
0x22: {  	[simem:s7], [sflag:s8] =	dma.local @!p0 [hbm:s6], $0xF7A  }
0x23: {  	s9 =	sor.u32 $0xD0000000, s2;
	s6 =	simm.s32 $0x108;
	_ =	swait.ge @!p0 [sflag:s8], $0x0  }
0x24: {  	s3 =	sadd.s32 $0x88, s3;
	s6 =	simm.s32 @!p1 $0x1082;
	[sflag:s4] =	ssyncset.s32 $0xFFFFF086  }
0x25: {  	[simem:s6], [sflag:s4] =	dma.local [hbm:s3], $0xF7A  }
0x26: {  	[smem:$0x3F8F] =	sst s1;
	(tag) =	ssettag s2;
	_ =	strace s9  }
0x27: {  	s1 =	sld [smem:$0x3F9F]  }
0x28: {  	s2 =	sld [smem:$0x3FA0]  }
0x29: {  	s4 =	sld [smem:$0x3FA2]  }
0x2a: {  	p0 =	seq.s32 s5, $0x0;
	s5 =	sld [smem:$0x3FA3]  }
0x2b: {  	s6 =	sld [smem:$0x3FA4]  }
0x2c: {  	s7 =	sld [smem:$0x3FA5]  }
0x2d: {  	s3 =	simm.s32 $0x108;
	s8 =	sld [smem:$0x3FA6]  }
0x2e: {  	s3 =	simm.s32 @!p0 $0x1082;
	s9 =	sld [smem:$0x3FA7]  }
0x2f: {  	lr =	sadd.s32 s0, s3;
	s0 =	sld [smem:$0x3F9E]  }
0x30: {  	s3 =	sld [smem:$0x3FA1]  }
0x31: {  	[smem:$0x3FAA] =	sst s10  }
0x32: {  	s10 =	sld [smem:$0x3FA8];
	_ =	sdelay $0x3  }
0x33: {  	p0 =	seq.s32 s10, $0x1;
	s10 =	sld [smem:$0x3FAA];
	_ =	sdelay $0x3  }
0x34: {  	[smem:$0x3FAA] =	sst s10  }
0x35: {  	s10 =	sld [smem:$0x3FA9];
	_ =	sdelay $0x3  }
0x36: {  	p1 =	seq.s32 s10, $0x1;
	s10 =	sld [smem:$0x3FAA];
	_ =	sdelay $0x3  }
0x37: {  	[smem:$0x3FAA] =	sst s10  }
0x38: {  	s10 =	sld [smem:$0x3FAB]  }
0x39: {  	_ = 	snop;
	(pc) =	sbr.ind lr, $3  }
0x3a: {  	_ = 	snop  }
0x3b: {  	_ = 	snop  }
0x3c: {  	p2 =	seq.s32 s10, $0x1;
	s10 =	sld [smem:$0x3FAA]  }
0x3d: {  	_ =	shalt  }
0x3e: {  	_ =	shalt  }
0x3f: {  	_ =	shalt  }
0x40: {  	_ =	shalt  }
0x41: {  	_ =	shalt  }
0x42: {  	_ =	shalt  }
0x43: {  	_ =	shalt  }
0x44: {  	_ =	shalt  }
0x45: {  	_ =	shalt  }
0x46: {  	_ =	shalt  }
0x47: {  	_ =	shalt  }
0x48: {  	_ =	shalt  }
0x49: {  	_ =	shalt  }
0x4a: {  	_ =	shalt  }
0x4b: {  	_ =	shalt  }
0x4c: {  	_ =	shalt  }
0x4d: {  	_ =	shalt  }
0x4e: {  	_ =	shalt  }
0x4f: {  	_ =	shalt  }
0x50: {  	_ =	shalt  }
0x51: {  	_ =	shalt  }
0x52: {  	_ =	shalt  }
0x53: {  	_ =	shalt  }
0x54: {  	_ =	shalt  }
0x55: {  	_ =	shalt  }
0x56: {  	_ =	shalt  }
0x57: {  	_ =	shalt  }
0x58: {  	_ =	shalt  }
0x59: {  	_ =	shalt  }
0x5a: {  	_ =	shalt  }
0x5b: {  	_ =	shalt  }
0x5c: {  	_ =	shalt  }
0x5d: {  	_ =	shalt  }
0x5e: {  	_ =	shalt  }
0x5f: {  	_ =	shalt  }
0x60: {  	_ =	shalt  }
0x61: {  	_ =	shalt  }
0x62: {  	_ =	shalt  }
0x63: {  	_ =	shalt  }
0x64: {  	_ =	shalt  }
0x65: {  	_ =	shalt  }
0x66: {  	_ =	shalt  }
0x67: {  	_ =	shalt  }
0x68: {  	_ =	shalt  }
0x69: {  	_ =	shalt  }
0x6a: {  	_ =	shalt  }
0x6b: {  	_ =	shalt  }
0x6c: {  	_ =	shalt  }
0x6d: {  	_ =	shalt  }
0x6e: {  	_ =	shalt  }
0x6f: {  	_ =	shalt  }
0x70: {  	_ =	shalt  }
0x71: {  	_ =	shalt  }
0x72: {  	_ =	shalt  }
0x73: {  	_ =	shalt  }
0x74: {  	_ =	shalt  }
0x75: {  	_ =	shalt  }
0x76: {  	_ =	shalt  }
0x77: {  	_ =	shalt  }
0x78: {  	_ =	shalt  }
0x79: {  	_ =	shalt  }
0x7a: {  	_ =	shalt  }
0x7b: {  	_ =	shalt  }
0x7c: {  	_ =	shalt  }
0x7d: {  	_ =	shalt  }
0x7e: {  	_ =	shalt  }
0x7f: {  	_ =	shalt  }
0x80: {  	_ =	shalt  }
0x81: {  	_ =	shalt  }
0x82: {  	_ =	shalt  }
0x83: {  	_ =	shalt  }
0x84: {  	_ =	shalt  }
0x85: {  	_ =	shalt  }
0x86: {  	_ =	shalt  }
0x87: {  	_ =	shalt  }
.Lfunc_end0:
.L_simem_size_0:
called_computation.1_lowered:
.L_overlay_start_0:
0x88: {  	s2 =	sld [smem:$0x3FD9]  }
0x89: {  	s3 =	sld [smem:$0x3FFE];
	_ =	sdelay $0x1  }
0x8a: {  	s1 =	srdreg.scid  }
0x8b: {  	s0 =	sand.u32 $0x1, s1  }
0x8c: {  	s14 =	sshll.u32 s0, $0xA;
	s2 =	sadd.s32 s3, s2  }
0x8d: {  	s2 =	sadd.s32 s2, s14  }
0x8e: {  	[smem:$0x3FB6] =	sst s2  }
0x8f: {  	_ = 	snop  }
0x90: {  	s2 =	sld [smem:$0x3FD0];
	_ =	sdelay $0x2  }
0x91: {  	s4 =	simm.s32 $0xA;
	s5 =	simm.s32 $0x10;
	s15 =	sld [smem:$0x3FC7]  }
0x92: {  	[smem:s5], [sflag:s4] =	dma.local [hbm:s2], $0x1  }
0x93: {  	_ =	swait.eq [sflag:s4], $0x1  }
0x94: {  	[sflag:s4] =	ssyncset.done $0x0  }
0x95: {  	[sflag:s4] =	ssyncadd.s32 $0xFFFFFFFF  }
0x96: {  	s16 =	sld [smem:$0x11];
	(tm) =	ssettm $0x1  }
0x97: {  	s17 =	sld [smem:$0x3FFB];
	_ =	sdelay $0x3  }
0x98: {  	_ =	strace s17  }
0x99: {  	s4 =	sld [smem:$0x3FFC];
	_ =	sdelay $0x3  }
0x9a: {  	_ =	strace s4  }
0x9b: {  	s4 =	sld [smem:$0x3FFD];
	_ =	sdelay $0x3  }
0x9c: {  	_ =	strace s4  }
0x9d: {  	_ =	strace $0x8FFFFFFF  }
0x9e: {  	s18 =	sld [smem:$0x3FDB];
	_ =	sdelay $0x1  }
0x9f: {  	s19 =	simm.s32 $_scs_section_size  }
0xa0: {  	s6 =	simm.s32 $_size__tile_overlayer_lowered;
	s7 =	simm.s32 $_tile_overlayer_lowered  }
0xa1: {  	s22 =	simm.s32 $0x1BFF;
	s21 =	sshll.u32 s7, $0x1;
	s4 =	sadd.s32 s19, s18  }
0xa2: {  	s8 =	simm.s32 $0x0;
	s20 =	sshll.u32 s6, $0x1;
	s6 =	sadd.s32 s21, s4  }
0xa3: {  	[timem:s8], [sflag:s22] =	dma.local [hbm:s6], s20  }
0xa4: {  	_ =	swait.ge [sflag:s22], s20  }
0xa5: {  	s5 =	ssub.s32 $0x0, s20;
	[sflag:s22] =	ssyncset.done $0x0  }
0xa6: {  	[sflag:s22] =	ssyncadd.s32 s5;
	_ =	sdelay $0x1  }
0xa7: {  	s23 =	simm.s32 $0x1B8B  }
0xa8: {  	_ =	swait.ge [sflag:s23], $0x1  }
0xa9: {  	[sflag:s23] =	ssyncset.done $0x0  }
0xaa: {  	s25 =	simm.s32 $0x1B8E;
	s24 =	sld [smem:$0x3FFE];
	[sflag:s23] =	ssyncadd.s32 $0xFFFFFFFF  }
0xab: {  	s26 =	simm.s32 $execute0_lowered;
	[smem:$0x3FD2] =	sst s25  }
0xac: {  	s6 =	sshll.u32 s26, $0x1;
	_ =	strace $0x80000049;
	[dreg:$0x1] =	wrdreg $0xFFFFFFFF  }
0xad: {  	s28 =	simm.s32 $_size_execute0_lowered;
	s4 =	sadd.s32 s4, s6;
	[dreg:$0x0] =	wrdreg $0x0  }
0xae: {  	s6 =	sshll.u32 s28, $0x1;
	[dreg:$0x2] =	wrdreg s4  }
0xaf: {  	[dreg:$0x3] =	wrdreg s6  }
0xb0: {  	[dreg:$0x4] =	wrdreg $0xC0  }
0xb1: {  	_ =	task [dreg:s8], $0x5FFFF  }
0xb2: {  	[dreg:$0x1] =	wrdreg $0xFFFFFFFF  }
0xb3: {  	[dreg:$0x0] =	wrdreg $0x60  }
0xb4: {  	[dreg:$0x2] =	wrdreg s24  }
0xb5: {  	[dreg:$0x3] =	wrdreg s15  }
0xb6: {  	[dreg:$0x4] =	wrdreg s16  }
0xb7: {  	[dreg:$0x5] =	wrdreg $0x9  }
0xb8: {  	_ =	task.clear_ibuf [dreg:s8], $0x6FFFF;
	_ =	strace $0x90000049  }
0xb9: {  	s29 =	simm.s32 $0x9;
	_ =	strace $0x8000004B  }
0xba: {  	_ =	swait.ge [sflag:s29], $0x1  }
0xbb: {  	[sflag:s29] =	ssyncadd.s32 $0xFFFFFFFF  }
0xbc: {  	_ =	strace $0x9000004B  }
0xbd: {  	_ =	sfence  }
0xbe: {  	s30 =	sld [smem:$0x0];
	_ =	sdelay $0x2  }
0xbf: {  	s31 =	sshll.u32 s1, $0xD;
	s1 =	sshrl.u32 s1, $0x2  }
0xc0: {  	s3 =	sand.u32 $0x4000, s31;
	s1 =	sadd.s32 s1, s30  }
0xc1: {  	s0 =	sor.u32 s3, s0;
	s1 =	sshll.u32 s1, $0x11  }
0xc2: {  	s0 =	sor.u32 s1, s0  }
0xc3: {  	s0 =	sadd.s32 $0x8F2B, s0  }
0xc4: {  	[sflag:s0] =	ssyncadd.remote.s32 $0x1  }
0xc5: {  	_ =	sfence.sel $0xFFFF  }
0xc6: {  	[dreg:$0x0] =	wrdreg $0xFFFFFFFF;
	(pc) =	sbr.abs _section_cstart, $3  }
0xc7: {  	[dreg:$0x1] =	wrdreg $0xFFFFFFFF  }
0xc8: {  	_ =	task.clear_ibuf [dreg:s8], $0x2FFFF;
	_ =	strace $0x9FFFFFFF  }
0xc9: {  	(tm) =	ssettm $0x7FFFFFFF  }
tec
execute0_lowered:
.L_overlay_start_1:
0x0: {  	(tag) =	ssettag $0x1  }
0x1: {  	s0 =	rddreg [dreg:$0x0]  }
0x2: {  	s2 =	rddreg [dreg:$0x1]  }
0x3: {  	s6 =	rddreg [dreg:$0x2]  }
0x4: {  	s4 =	srdreg.scid;
	s1 =	stileid.u32;
	s3 =	simm.s32 $0x0  }
0x5: {  	s12 =	simm.s32 $0xC400;
	s13 =	simm.s32 $0xEB80;
	s14 =	simm.s32 $0x11300  }
0x6: {  	s15 =	simm.s32 $0x3;
	s16 =	simm.s32 $0x2710;
	s17 =	simm.s32 $0x1  }
0x7: {  	s18 =	simm.s32 $0x13A80;
	s19 =	simm.s32 $0x16200;
	s20 =	simm.s32 $0x18980  }
0x8: {  	s21 =	simm.s32 $0x4E80;
	s22 =	simm.s32 $0x2;
	s23 =	simm.s32 $0x7590  }
0x9: {  	s24 =	simm.s32 $0x9CA0;
	s5 =	sand.u32 $0x1, s4;
	s30 =	sshll.u32 s1, $0x1  }
0xa: {  	s25 =	simm.s32 $0x0;
	[smem:$0x7FF] =	sst s3;
	s7 =	sor.u32 s5, s30  }
0xb: {  	s4 =	sadd.s32 $0x3600, s0;
	s5 =	ssub.s32 $0x2, s5;
	s8 =	smul.u32 $0x4E2, s7  }
0xc: {  	s10 =	sadd.s32 $0x20E00, s0;
	s7 =	smul.u32 $0x2710, s7;
	s11 =	sshrl.u32 s5, $0x1  }
0xd: {  	_ =	strace $0x8000004A;
	s11 =	ssub.s32 s5, s11;
	s5 =	sadd.s32 $0xD240, s0  }
0xe: {  	s9 =	sadd.s32 s8, s0;
	s31 =	sshrl.u32 s7, $0x3;
	s6 =	sadd.s32 s6, s8  }
0xf: {  	s8 =	sadd.s32 s10, s8;
	s11 =	smax.u32 s11, $0x1;
	s0 =	sadd.s32 s10, s31  }
0x10: {  	v0 =	vimm.f32 $0.0e+00;
	s7 =	sadd.s32 $0x17000, s9;
	s9 =	sadd.s32 $0x9C40, s0;
	s10 =	sadd.s32 $0x13880, s0  }
.LBB2_1:
0x11: {  	[tilespmem:s12], [sflag:$0x1] =	stream.linear.gather [hbm4b:s4+s3], $0x2710, $0x38;
	[tilespmem:$0x1B100] =	vst v63  }
0x12: {  	_ = 	snop  }
0x13: {  	[tilespmem:s13], [sflag:$0x1] =	stream.linear.gather [hbm4b:s5+s3], $0x2710, $0x38;
	[tilespmem:$0x1B100] =	vst v63  }
0x14: {  	_ = 	snop  }
0x15: {  	[tilespmem:s14], [sflag:$0x1] =	stream.linear.gather [hbm4b:s2+s3], $0x2710, $0x38;
	[tilespmem:$0x1B100] =	vst v63  }
0x16: {  	_ = 	snop  }
0x17: {  	[tilespmem:s3], [sflag:$0x3] =	stream.linear.gather [hbm4b:s6+s3], $0x2710, $0x38;
	[tilespmem:$0x1B100] =	vst v63  }
0x18: {  	_ =	swait.ge [sflag:s15], $0x2710  }
0x19: {  	[sflag:s15] =	ssyncset.done $0x0  }
0x1a: {  	[sflag:s15] =	ssyncadd.s32 $0xFFFFD8F0  }
0x1b: {  	[tilespmem:s16], [sflag:$0x3] =	stream.linear.gather [hbm4b:s7+s3], $0x2710, $0x38;
	[tilespmem:$0x1B100] =	vst v63  }
0x1c: {  	_ =	swait.ge [sflag:s15], $0x2710  }
0x1d: {  	[sflag:s15] =	ssyncset.done $0x0  }
0x1e: {  	s0 =	simm.s32 $0x4EC0;
	[sflag:s15] =	ssyncadd.s32 $0xFFFFD8F0  }
0x1f: {  	[tilespmem:s0+$0xFFFFFFC0] =	vst v0  }
0x20: {  	[tilespmem:s0+$0x30] =	vst v0  }
0x21: {  	[tilespmem:s0+$0x20] =	vst v0  }
0x22: {  	[tilespmem:s0+$0x10] =	vst v0  }
0x23: {  	[tilespmem:s0+$0x0] =	vst v0  }
0x24: {  	[tilespmem:s0+$0xFFFFFFF0] =	vst v0  }
0x25: {  	s26 =	simm.s32 $0x0;
	[tilespmem:s0+$0xFFFFFFE0] =	vst v0  }
.LBB2_2:
0x26: {  	s26 =	sadd.s32 $0x8, s26;
	[tilespmem:s0+$0xFFFFFFD0] =	vst v0;
	s0 =	sadd.s32 $0x80, s0  }
0x27: {  	[tilespmem:s0+$0xFFFFFFC0] =	vst v0;
	p0 =	slt.u32 s26, $0x748  }
0x28: {  	[tilespmem:s0+$0x30] =	vst v0  }
.Ltmp0:
0x29: {  	[tilespmem:s0+$0x20] =	vst v0;
	(pc) =	sbr.rel @p0 .LBB2_2-.Ltmp0, $4  }
0x2a: {  	[tilespmem:s0+$0x10] =	vst v0  }
0x2b: {  	[tilespmem:s0+$0x0] =	vst v0  }
0x2c: {  	[tilespmem:s0+$0xFFFFFFF0] =	vst v0  }
0x2d: {  	[tilespmem:s0+$0xFFFFFFE0] =	vst v0  }
0x2e: {  	[tilespmem:s0+$0xFFFFFFD0] =	vst v0;
	s26 =	simm.s32 $0x0;
	s0 =	simm.s32 $0x0  }
.LBB2_4:
0x2f: {  	p0 =	sne.s32 s0, $0x80  }
.Ltmp1:
0x30: {  	_ = 	snop;
	(pc) =	sbr.rel @p0 .LBB2_4-.Ltmp1, $3  }
0x31: {  	_ =	sdelay $0x1  }
0x32: {  	s28 =	sshra.s32 s0, $0x2  }
0x33: {  	s0 =	sadd.s32 $0x40, s0;
	[tilespmem:s28+$0xC380] =	vst v0  }
.LBB2_5:
0x34: {  	_ =	swait.ge [sflag:s17], $0x2710  }
0x35: {  	[sflag:s17] =	ssyncset.done $0x0  }
0x36: {  	[sflag:s17] =	ssyncadd.s32 $0xFFFFD8F0  }
0x37: {  	_ =	swait.ge [sflag:s17], $0x2710  }
0x38: {  	s28 =	smul.u32 $0x4E20, s26;
	[sflag:s17] =	ssyncset.done $0x0  }
0x39: {  	[sflag:s17] =	ssyncadd.s32 $0xFFFFD8F0  }
0x3a: {  	s0 =	sshrl.u32 s28, $0x3;
	_ =	swait.ge [sflag:s17], $0x2710  }
0x3b: {  	s29 =	sadd.s32 $0x4E2, s0;
	[sflag:s17] =	ssyncset.done $0x0  }
0x3c: {  	s0 =	sadd.s32 s4, s0;
	s30 =	sadd.s32 s4, s29;
	[sflag:s17] =	ssyncadd.s32 $0xFFFFD8F0  }
0x3d: {  	[tilespmem:s18], [sflag:$0x2] =	stream.linear.gather [hbm4b:s30+s3], $0x2710, $0x38;
	[tilespmem:$0x1B100] =	vst v63  }
0x3e: {  	s0 =	sadd.s32 $0xA122, s0  }
0x3f: {  	[tilespmem:s19], [sflag:$0x2] =	stream.linear.gather [hbm4b:s0+s3], $0x2710, $0x38;
	[tilespmem:$0x1B100] =	vst v63  }
0x40: {  	s0 =	sadd.s32 s2, s29;
	s29 =	simm.s32 $0xEBC0  }
0x41: {  	[tilespmem:s20], [sflag:$0x2] =	stream.linear.gather [hbm4b:s0+s3], $0x2710, $0x38;
	[tilespmem:$0x1B100] =	vst v63  }
0x42: {  	s0 =	simm.s32 $0x11340;
	v3 =	vld [tilespmem:s29+$0x0]  }
0x43: {  	v1 =	vld [tilespmem:s0+$0xFFFFFFD0]  }
0x44: {  	v2 =	vld [tilespmem:s29+$0xFFFFFFD0]  }
0x45: {  	v6 =	vld [tilespmem:s0+$0xFFFFFFE0]  }
0x46: {  	v7 =	vld [tilespmem:s29+$0xFFFFFFE0]  }
0x47: {  	v5 =	vld [tilespmem:s29+$0xFFFFFFF0]  }
0x48: {  	v10 =	vld [tilespmem:s29+$0x10]  }
0x49: {  	v8 =	vld [tilespmem:s0+$0x0]  }
0x4a: {  	v9 =	vld [tilespmem:s0+$0x10]  }
0x4b: {  	v12 =	vld [tilespmem:s29+$0x20]  }
0x4c: {  	v4 =	vld [tilespmem:s0+$0xFFFFFFF0]  }
0x4d: {  	v20 =	vld [tilespmem:s29+$0x30]  }
0x4e: {  	v11 =	vld [tilespmem:s0+$0x20]  }
0x4f: {  	v23 =	vld [tilespmem:s0+$0x30]  }
0x50: {  	v19 =	vld [tilespmem:s0+$0xFFFFFFC0]  }
0x51: {  	s30 =	simm.s32 $0xC440;
	v21 =	vld [tilespmem:s29+$0xFFFFFFC0]  }
0x52: {  	v13 =	vld [tilespmem:s30+$0xFFFFFFC0]  }
0x53: {  	v15 =	vld [tilespmem:s30+$0x30]  }
0x54: {  	v16 =	vld [tilespmem:s30+$0x20]  }
0x55: {  	v17 =	vld [tilespmem:s30+$0x10]  }
0x56: {  	v18 =	vld [tilespmem:s30+$0x0]  }
0x57: {  	v22 =	vld [tilespmem:s30+$0xFFFFFFF0]  }
0x58: {  	v25 =	vld [tilespmem:s30+$0xFFFFFFE0]  }
0x59: {  	v14 =	vld [tilespmem:s30+$0xFFFFFFD0]  }
0x5a: {  	v24 =	vadd.s32 $0x2710, v13;
	v27 =	vld.idx.msk [tilespmem:v13+s3+$0x0], $0xffff  }
0x5b: {  	v26 =	vadd.s32 $0x2710, v15;
	v28 =	vld.idx.msk [tilespmem:v15+s3+$0x0], $0xffff  }
0x5c: {  	v29 =	vld.idx.msk [tilespmem:v16+s3+$0x0], $0xffff  }
0x5d: {  	v30 =	vld.idx.msk [tilespmem:v17+s3+$0x0], $0xffff  }
0x5e: {  	v15 =	vadd.s32 $0x2710, v18;
	v32 =	vld.idx.msk [tilespmem:v18+s3+$0x0], $0xffff  }
0x5f: {  	v24 =	vld.idx.msk [tilespmem:v24+s3+$0x0], $0xffff  }
0x60: {  	v31 =	vld.idx.msk [tilespmem:v26+s3+$0x0], $0xffff;
	v26 =	vadd.s32 $0x2710, v16  }
0x61: {  	v33 =	vadd.s32 $0x2710, v21;
	v36 =	vadd.s32 $0x2710, v25;
	v34 =	vld.idx.msk [tilespmem:v22+s3+$0x0], $0xffff;
	v18 =	vunpack.i.l.bf16.f32 v27  }
0x62: {  	v37 =	vld.idx.msk [tilespmem:v25+s3+$0x0], $0xffff;
	v16 =	vadd.s32 $0x2710, v22;
	v22 =	vadd.s32 $0x4E20, v21;
	v35 =	vmul.f32 v18, v19  }
0x63: {  	v38 =	vadd.s32 $0x2710, v20;
	v62 =	vadd.s32 $0x4E20, v20;
	v15 =	vld.idx.msk [tilespmem:v15+s3+$0x0], $0xffff;
	v27 =	vunpack.i.u.bf16.f32 v27  }
0x64: {  	v13 =	vadd.s32 $0x2710, v12;
	v17 =	vadd.s32 $0x2710, v17;
	[tilespmem:v21+s21+$0x0] =	vst.idx.add.f32.msk $0xffff, v35;
	v21 =	vmul.f32 v27, v19  }
0x65: {  	v25 =	vunpack.i.u.bf16.f32 v28;
	v24 =	vmul.f32 v24, v19;
	v27 =	vunpack.i.l.bf16.f32 v28;
	v19 =	vld.idx.msk [tilespmem:v26+s3+$0x0], $0xffff  }
0x66: {  	v63 =	vunpack.i.l.bf16.f32 v34;
	v18 =	vadd.s32 $0x2710, v14;
	v27 =	vmul.f32 v27, v23;
	[tilespmem:v33+s21+$0x0] =	vst.idx.add.f32.msk $0xffff, v21  }
0x67: {  	v31 =	vmul.f32 v31, v23;
	v26 =	vunpack.i.l.bf16.f32 v29;
	v28 =	vunpack.i.u.bf16.f32 v29;
	[tilespmem:v22+s21+$0x0] =	vst.idx.add.f32.msk $0xffff, v24  }
0x68: {  	v29 =	vmul.f32 v25, v23;
	v25 =	vunpack.i.l.bf16.f32 v32;
	v26 =	vmul.f32 v26, v11;
	[tilespmem:v20+s21+$0x0] =	vst.idx.add.f32.msk $0xffff, v27  }
0x69: {  	v23 =	vunpack.i.u.bf16.f32 v37;
	v21 =	vunpack.i.u.bf16.f32 v32;
	v22 =	vunpack.i.u.bf16.f32 v30;
	v20 =	vld.idx.msk [tilespmem:v36+s3+$0x0], $0xffff  }
0x6a: {  	v30 =	vunpack.i.l.bf16.f32 v30;
	v24 =	vunpack.i.u.bf16.f32 v34;
	[tilespmem:v38+s21+$0x0] =	vst.idx.add.f32.msk $0xffff, v29;
	v29 =	vmul.f32 v28, v11  }
0x6b: {  	s31 =	simm.s32 $0x0;
	s0 =	simm.s32 $0x113C0;
	v27 =	vunpack.i.l.bf16.f32 v37;
	v28 =	vmul.f32 v63, v4;
	v30 =	vmul.f32 v30, v9;
	[tilespmem:v62+s21+$0x0] =	vst.idx.add.f32.msk $0xffff, v31  }
.LBB2_6:
0x6c: {  	s31 =	sadd.s32 $0x8, s31;
	v18 =	vld.idx.msk [tilespmem:v18+s3+$0x0], $0xffff;
	s30 =	sadd.s32 $0x80, s30;
	s29 =	sadd.s32 $0x80, s29  }
0x6d: {  	v22 =	vmul.f32 v22, v9;
	p0 =	slt.u32 s31, $0x268;
	[tilespmem:v12+s21+$0x0] =	vst.idx.add.f32.msk $0xffff, v26  }
0x6e: {  	v15 =	vmul.f32 v15, v8;
	v14 =	vld.idx.msk [tilespmem:v14+s3+$0x0], $0xffff  }
0x6f: {  	v24 =	vmul.f32 v24, v4;
	v12 =	vadd.s32 $0x4E20, v12;
	v16 =	vld.idx.msk [tilespmem:v16+s3+$0x0], $0xffff  }
0x70: {  	v17 =	vld.idx.msk [tilespmem:v17+s3+$0x0], $0xffff  }
0x71: {  	v11 =	vmul.f32 v19, v11;
	v26 =	vadd.s32 $0x2710, v3;
	[tilespmem:v13+s21+$0x0] =	vst.idx.add.f32.msk $0xffff, v29  }
0x72: {  	v13 =	vmul.f32 v25, v8;
	[tilespmem:v10+s21+$0x0] =	vst.idx.add.f32.msk $0xffff, v30  }
0x73: {  	v19 =	vadd.s32 $0x2710, v7;
	v8 =	vmul.f32 v21, v8;
	v21 =	vadd.s32 $0x2710, v10;
	[tilespmem:v5+s21+$0x0] =	vst.idx.add.f32.msk $0xffff, v28  }
0x74: {  	v27 =	vmul.f32 v27, v6;
	v25 =	vunpack.i.u.bf16.f32 v14;
	v14 =	vunpack.i.l.bf16.f32 v14;
	[tilespmem:v12+s21+$0x0] =	vst.idx.add.f32.msk $0xffff, v11  }
0x75: {  	v10 =	vadd.s32 $0x4E20, v10;
	v11 =	vmul.f32 v23, v6;
	[tilespmem:v3+s21+$0x0] =	vst.idx.add.f32.msk $0xffff, v13  }
0x76: {  	v12 =	vadd.s32 $0x4E20, v7;
	v6 =	vmul.f32 v20, v6;
	[tilespmem:v26+s21+$0x0] =	vst.idx.add.f32.msk $0xffff, v8;
	v8 =	vmul.f32 v17, v9  }
0x77: {  	[tilespmem:v7+s21+$0x0] =	vst.idx.add.f32.msk $0xffff, v27;
	v7 =	vadd.s32 $0x2710, v5  }
0x78: {  	v5 =	vadd.s32 $0x4E20, v5;
	[tilespmem:v19+s21+$0x0] =	vst.idx.add.f32.msk $0xffff, v11  }
0x79: {  	[tilespmem:v21+s21+$0x0] =	vst.idx.add.f32.msk $0xffff, v22  }
0x7a: {  	v9 =	vadd.s32 $0x2710, v2;
	v11 =	vmul.f32 v18, v1;
	[tilespmem:v10+s21+$0x0] =	vst.idx.add.f32.msk $0xffff, v8  }
0x7b: {  	v4 =	vmul.f32 v16, v4;
	v3 =	vadd.s32 $0x4E20, v3;
	v8 =	vadd.s32 $0x4E20, v2;
	[tilespmem:v12+s21+$0x0] =	vst.idx.add.f32.msk $0xffff, v6  }
0x7c: {  	v6 =	vmul.f32 v14, v1;
	[tilespmem:v7+s21+$0x0] =	vst.idx.add.f32.msk $0xffff, v24  }
0x7d: {  	v1 =	vmul.f32 v25, v1;
	[tilespmem:v5+s21+$0x0] =	vst.idx.add.f32.msk $0xffff, v4  }
0x7e: {  	[tilespmem:v2+s21+$0x0] =	vst.idx.add.f32.msk $0xffff, v6  }
0x7f: {  	[tilespmem:v9+s21+$0x0] =	vst.idx.add.f32.msk $0xffff, v1  }
0x80: {  	[tilespmem:v3+s21+$0x0] =	vst.idx.add.f32.msk $0xffff, v15  }
0x81: {  	[tilespmem:v8+s21+$0x0] =	vst.idx.add.f32.msk $0xffff, v11  }
0x82: {  	v3 =	vld [tilespmem:s29+$0x0]  }
0x83: {  	v1 =	vld [tilespmem:s0+$0xFFFFFFD0]  }
0x84: {  	v2 =	vld [tilespmem:s29+$0xFFFFFFD0]  }
0x85: {  	v6 =	vld [tilespmem:s0+$0xFFFFFFE0]  }
0x86: {  	v7 =	vld [tilespmem:s29+$0xFFFFFFE0]  }
0x87: {  	v5 =	vld [tilespmem:s29+$0xFFFFFFF0]  }
0x88: {  	v10 =	vld [tilespmem:s29+$0x10]  }
0x89: {  	v8 =	vld [tilespmem:s0+$0x0]  }
0x8a: {  	v9 =	vld [tilespmem:s0+$0x10]  }
0x8b: {  	v12 =	vld [tilespmem:s29+$0x20]  }
0x8c: {  	v4 =	vld [tilespmem:s0+$0xFFFFFFF0]  }
0x8d: {  	v20 =	vld [tilespmem:s29+$0x30]  }
0x8e: {  	v11 =	vld [tilespmem:s0+$0x20]  }
0x8f: {  	v23 =	vld [tilespmem:s0+$0x30]  }
0x90: {  	v19 =	vld [tilespmem:s0+$0xFFFFFFC0];
	v13 =	vadd.s32 $0x2710, v12  }
0x91: {  	v21 =	vld [tilespmem:s29+$0xFFFFFFC0]  }
0x92: {  	v15 =	vld [tilespmem:s30+$0xFFFFFFC0]  }
0x93: {  	v16 =	vld [tilespmem:s30+$0x30]  }
0x94: {  	v17 =	vld [tilespmem:s30+$0x20]  }
0x95: {  	v22 =	vld [tilespmem:s30+$0x10]  }
0x96: {  	v24 =	vld [tilespmem:s30+$0x0]  }
0x97: {  	v18 =	vadd.s32 $0x2710, v15;
	v25 =	vld [tilespmem:s30+$0xFFFFFFF0]  }
0x98: {  	v26 =	vld [tilespmem:s30+$0xFFFFFFE0];
	v27 =	vadd.s32 $0x2710, v16  }
0x99: {  	v14 =	vld [tilespmem:s30+$0xFFFFFFD0];
	v28 =	vadd.s32 $0x2710, v17  }
0x9a: {  	v15 =	vld.idx.msk [tilespmem:v15+s3+$0x0], $0xffff  }
0x9b: {  	v29 =	vadd.s32 $0x2710, v24;
	v30 =	vld.idx.msk [tilespmem:v16+s3+$0x0], $0xffff  }
0x9c: {  	v16 =	vadd.s32 $0x2710, v25;
	v31 =	vld.idx.msk [tilespmem:v17+s3+$0x0], $0xffff  }
0x9d: {  	v32 =	vld.idx.msk [tilespmem:v18+s3+$0x0], $0xffff;
	v33 =	vadd.s32 $0x2710, v26  }
0x9e: {  	v18 =	vadd.s32 $0x2710, v14;
	v34 =	vld.idx.msk [tilespmem:v22+s3+$0x0], $0xffff  }
0x9f: {  	v35 =	vadd.s32 $0x2710, v21;
	v17 =	vadd.s32 $0x2710, v22;
	v27 =	vld.idx.msk [tilespmem:v27+s3+$0x0], $0xffff  }
0xa0: {  	v36 =	vadd.s32 $0x4E20, v21;
	v22 =	vunpack.i.u.bf16.f32 v15;
	v15 =	vunpack.i.l.bf16.f32 v15;
	v24 =	vld.idx.msk [tilespmem:v24+s3+$0x0], $0xffff  }
0xa1: {  	v37 =	vmul.f32 v15, v19;
	v38 =	vld.idx.msk [tilespmem:v25+s3+$0x0], $0xffff;
	v25 =	vunpack.i.u.bf16.f32 v30;
	v30 =	vunpack.i.l.bf16.f32 v30  }
0xa2: {  	v15 =	vld.idx.msk [tilespmem:v29+s3+$0x0], $0xffff;
	v29 =	vunpack.i.u.bf16.f32 v31;
	v31 =	vunpack.i.l.bf16.f32 v31;
	v30 =	vmul.f32 v30, v23  }
0xa3: {  	v40 =	vmul.f32 v25, v23;
	v39 =	vld.idx.msk [tilespmem:v26+s3+$0x0], $0xffff;
	v26 =	vmul.f32 v31, v11;
	v31 =	vadd.s32 $0x2710, v20  }
0xa4: {  	[tilespmem:v21+s21+$0x0] =	vst.idx.add.f32.msk $0xffff, v37;
	v21 =	vmul.f32 v22, v19;
	v22 =	vunpack.i.u.bf16.f32 v34;
	v34 =	vunpack.i.l.bf16.f32 v34  }
0xa5: {  	v32 =	vmul.f32 v32, v19;
	v37 =	vadd.s32 $0x4E20, v20;
	v19 =	vld.idx.msk [tilespmem:v28+s3+$0x0], $0xffff  }
0xa6: {  	v25 =	vunpack.i.l.bf16.f32 v24;
	[tilespmem:v35+s21+$0x0] =	vst.idx.add.f32.msk $0xffff, v21;
	v21 =	vunpack.i.u.bf16.f32 v24;
	v35 =	vmul.f32 v27, v23  }
.Ltmp2:
0xa7: {  	v29 =	vmul.f32 v29, v11;
	v24 =	vunpack.i.u.bf16.f32 v38;
	v28 =	vunpack.i.l.bf16.f32 v38;
	[tilespmem:v36+s21+$0x0] =	vst.idx.add.f32.msk $0xffff, v32;
	(pc) =	sbr.rel @p0 .LBB2_6-.Ltmp2, $4  }
0xa8: {  	[tilespmem:v20+s21+$0x0] =	vst.idx.add.f32.msk $0xffff, v30  }
0xa9: {  	v28 =	vmul.f32 v28, v4;
	v23 =	vunpack.i.u.bf16.f32 v39;
	v27 =	vunpack.i.l.bf16.f32 v39;
	[tilespmem:v31+s21+$0x0] =	vst.idx.add.f32.msk $0xffff, v40  }
0xaa: {  	v20 =	vld.idx.msk [tilespmem:v33+s3+$0x0], $0xffff  }
0xab: {  	s0 =	sadd.s32 $0x80, s0;
	v30 =	vmul.f32 v34, v9;
	[tilespmem:v37+s21+$0x0] =	vst.idx.add.f32.msk $0xffff, v35  }
0xac: {  	_ =	sdelay $0x3  }
0xad: {  	v18 =	vld.idx.msk [tilespmem:v18+s3+$0x0], $0xffff  }
0xae: {  	[tilespmem:v12+s21+$0x0] =	vst.idx.add.f32.msk $0xffff, v26  }
0xaf: {  	v14 =	vld.idx.msk [tilespmem:v14+s3+$0x0], $0xffff  }
0xb0: {  	v16 =	vld.idx.msk [tilespmem:v16+s3+$0x0], $0xffff  }
0xb1: {  	v12 =	vadd.s32 $0x4E20, v12;
	v17 =	vld.idx.msk [tilespmem:v17+s3+$0x0], $0xffff  }
0xb2: {  	v26 =	vadd.s32 $0x2710, v3;
	[tilespmem:v5+s21+$0x0] =	vst.idx.add.f32.msk $0xffff, v28  }
0xb3: {  	[tilespmem:v13+s21+$0x0] =	vst.idx.add.f32.msk $0xffff, v29;
	v13 =	vmul.f32 v25, v8  }
0xb4: {  	v11 =	vmul.f32 v19, v11;
	[tilespmem:v10+s21+$0x0] =	vst.idx.add.f32.msk $0xffff, v30;
	v25 =	vadd.s32 $0x2710, v10  }
0xb5: {  	v21 =	vmul.f32 v21, v8;
	v10 =	vadd.s32 $0x4E20, v10;
	[tilespmem:v3+s21+$0x0] =	vst.idx.add.f32.msk $0xffff, v13  }
0xb6: {  	v19 =	vadd.s32 $0x2710, v7;
	[tilespmem:v12+s21+$0x0] =	vst.idx.add.f32.msk $0xffff, v11;
	v11 =	vmul.f32 v27, v6  }
0xb7: {  	v13 =	vadd.s32 $0x4E20, v7;
	[tilespmem:v26+s21+$0x0] =	vst.idx.add.f32.msk $0xffff, v21;
	v21 =	vmul.f32 v22, v9  }
0xb8: {  	v9 =	vmul.f32 v17, v9;
	[tilespmem:v7+s21+$0x0] =	vst.idx.add.f32.msk $0xffff, v11  }
0xb9: {  	v12 =	vmul.f32 v23, v6;
	v7 =	vadd.s32 $0x2710, v5;
	[tilespmem:v25+s21+$0x0] =	vst.idx.add.f32.msk $0xffff, v21  }
0xba: {  	v6 =	vmul.f32 v20, v6;
	v5 =	vadd.s32 $0x4E20, v5;
	[tilespmem:v10+s21+$0x0] =	vst.idx.add.f32.msk $0xffff, v9;
	v9 =	vunpack.i.l.bf16.f32 v14  }
0xbb: {  	[tilespmem:v19+s21+$0x0] =	vst.idx.add.f32.msk $0xffff, v12;
	v12 =	vadd.s32 $0x2710, v2;
	v9 =	vmul.f32 v9, v1  }
0xbc: {  	v11 =	vmul.f32 v24, v4;
	v10 =	vadd.s32 $0x4E20, v2;
	[tilespmem:v13+s21+$0x0] =	vst.idx.add.f32.msk $0xffff, v6  }
0xbd: {  	v3 =	vadd.s32 $0x4E20, v3;
	v4 =	vmul.f32 v16, v4;
	v6 =	vunpack.i.u.bf16.f32 v14;
	[tilespmem:v2+s21+$0x0] =	vst.idx.add.f32.msk $0xffff, v9  }
0xbe: {  	v6 =	vmul.f32 v6, v1;
	[tilespmem:v7+s21+$0x0] =	vst.idx.add.f32.msk $0xffff, v11  }
0xbf: {  	v1 =	vmul.f32 v18, v1;
	[tilespmem:v5+s21+$0x0] =	vst.idx.add.f32.msk $0xffff, v4  }
0xc0: {  	v4 =	vmul.f32 v15, v8;
	[tilespmem:v12+s21+$0x0] =	vst.idx.add.f32.msk $0xffff, v6  }
0xc1: {  	[tilespmem:v10+s21+$0x0] =	vst.idx.add.f32.msk $0xffff, v1  }
0xc2: {  	[tilespmem:v3+s21+$0x0] =	vst.idx.add.f32.msk $0xffff, v4  }
0xc3: {  	v1 =	vld [tilespmem:$0xEB00];
	_ =	sdelay $0x5  }
0xc4: {  	v2 =	vadd.s32 $0x2710, v1  }
0xc5: {  	v3 =	vld [tilespmem:$0x11280]  }
0xc6: {  	v1 =	vld.idx.msk [tilespmem:v1+s3+$0x0], $0xffff  }
0xc7: {  	v4 =	vld [tilespmem:$0x13A00];
	_ =	sdelay $0x1  }
0xc8: {  	v2 =	vld.idx.msk [tilespmem:v2+s3+$0x0], $0xffff  }
0xc9: {  	v5 =	vadd.s32 $0x2710, v3  }
0xca: {  	v7 =	vadd.s32 $0x4E20, v3;
	v6 =	vunpack.i.l.bf16.f32 v1  }
0xcb: {  	v1 =	vunpack.i.u.bf16.f32 v1;
	v6 =	vmul.f32 v6, v4  }
0xcc: {  	v1 =	vmul.f32 v1, v4  }
0xcd: {  	v2 =	vmul.f32 v2, v4;
	[tilespmem:v3+s21+$0x0] =	vst.idx.add.f32.msk $0xffff, v6  }
0xce: {  	[tilespmem:v5+s21+$0x0] =	vst.idx.add.f32.msk $0xffff, v1  }
0xcf: {  	[tilespmem:v7+s21+$0x0] =	vst.idx.add.f32.msk $0xffff, v2  }
0xd0: {  	_ =	swait.ge [sflag:s22], $0x2710  }
0xd1: {  	[sflag:s22] =	ssyncset.done $0x0  }
0xd2: {  	[sflag:s22] =	ssyncadd.s32 $0xFFFFD8F0  }
0xd3: {  	_ =	swait.ge [sflag:s22], $0x2710  }
0xd4: {  	[sflag:s22] =	ssyncset.done $0x0  }
0xd5: {  	p0 =	seq.s32 s26, $0xF;
	[sflag:s22] =	ssyncadd.s32 $0xFFFFD8F0  }
0xd6: {  	s0 =	sshrl.u32 @!p0 s28, $0x3;
	s30 =	simm.s32 @!p0 $0x0;
	_ =	swait.ge [sflag:s22], $0x2710  }
0xd7: {  	s31 =	simm.s32 @!p0 $0xC400;
	s28 =	sadd.s32 @!p0 $0x9C4, s0;
	[sflag:s22] =	ssyncset.done $0x0  }
0xd8: {  	s0 =	sadd.s32 @!p0 s4, s0;
	s29 =	sadd.s32 @!p0 s4, s28;
	[sflag:s22] =	ssyncadd.s32 $0xFFFFD8F0  }
0xd9: {  	[tilespmem:s31], [sflag:$0x1] =	stream.linear.gather @!p0 [hbm4b:s29+s30], $0x2710, $0x38;
	[tilespmem:$0x1B100] =	vst v63  }
0xda: {  	s0 =	sadd.s32 @!p0 $0xA604, s0;
	s29 =	simm.s32 @!p0 $0xEB80  }
0xdb: {  	[tilespmem:s29], [sflag:$0x1] =	stream.linear.gather @!p0 [hbm4b:s0+s30], $0x2710, $0x38;
	[tilespmem:$0x1B100] =	vst v63  }
0xdc: {  	s0 =	sadd.s32 @!p0 s2, s28;
	s28 =	simm.s32 @!p0 $0x11300  }
0xdd: {  	[tilespmem:s28], [sflag:$0x1] =	stream.linear.gather @!p0 [hbm4b:s0+s30], $0x2710, $0x38;
	[tilespmem:$0x1B100] =	vst v63  }
0xde: {  	s28 =	simm.s32 $0x16240  }
0xdf: {  	s31 =	simm.s32 $0x189C0;
	v3 =	vld [tilespmem:s28+$0x0]  }
0xe0: {  	v1 =	vld [tilespmem:s31+$0xFFFFFFD0]  }
0xe1: {  	v2 =	vld [tilespmem:s28+$0xFFFFFFD0]  }
0xe2: {  	v6 =	vld [tilespmem:s31+$0xFFFFFFE0]  }
0xe3: {  	v7 =	vld [tilespmem:s28+$0xFFFFFFE0]  }
0xe4: {  	v5 =	vld [tilespmem:s28+$0xFFFFFFF0]  }
0xe5: {  	v10 =	vld [tilespmem:s28+$0x10]  }
0xe6: {  	v8 =	vld [tilespmem:s31+$0x0]  }
0xe7: {  	v9 =	vld [tilespmem:s31+$0x10]  }
0xe8: {  	v12 =	vld [tilespmem:s28+$0x20]  }
0xe9: {  	v4 =	vld [tilespmem:s31+$0xFFFFFFF0]  }
0xea: {  	v20 =	vld [tilespmem:s28+$0x30]  }
0xeb: {  	v11 =	vld [tilespmem:s31+$0x20]  }
0xec: {  	v23 =	vld [tilespmem:s31+$0x30]  }
0xed: {  	v19 =	vld [tilespmem:s31+$0xFFFFFFC0]  }
0xee: {  	s29 =	simm.s32 $0x13AC0;
	v21 =	vld [tilespmem:s28+$0xFFFFFFC0]  }
0xef: {  	v13 =	vld [tilespmem:s29+$0xFFFFFFC0]  }
0xf0: {  	v15 =	vld [tilespmem:s29+$0x30]  }
0xf1: {  	v16 =	vld [tilespmem:s29+$0x20]  }
0xf2: {  	v17 =	vld [tilespmem:s29+$0x10]  }
0xf3: {  	v18 =	vld [tilespmem:s29+$0x0]  }
0xf4: {  	v22 =	vld [tilespmem:s29+$0xFFFFFFF0]  }
0xf5: {  	v25 =	vld [tilespmem:s29+$0xFFFFFFE0]  }
0xf6: {  	v14 =	vld [tilespmem:s29+$0xFFFFFFD0]  }
0xf7: {  	v24 =	vadd.s32 $0x2710, v13;
	v27 =	vld.idx.msk [tilespmem:v13+s3+$0x0], $0xffff  }
0xf8: {  	v26 =	vadd.s32 $0x2710, v15;
	v28 =	vld.idx.msk [tilespmem:v15+s3+$0x0], $0xffff  }
0xf9: {  	v29 =	vld.idx.msk [tilespmem:v16+s3+$0x0], $0xffff  }
0xfa: {  	v30 =	vld.idx.msk [tilespmem:v17+s3+$0x0], $0xffff  }
0xfb: {  	v15 =	vadd.s32 $0x2710, v18;
	v32 =	vld.idx.msk [tilespmem:v18+s3+$0x0], $0xffff  }
0xfc: {  	v24 =	vld.idx.msk [tilespmem:v24+s3+$0x0], $0xffff  }
0xfd: {  	v31 =	vld.idx.msk [tilespmem:v26+s3+$0x0], $0xffff;
	v26 =	vadd.s32 $0x2710, v16  }
0xfe: {  	v33 =	vadd.s32 $0x2710, v21;
	v36 =	vadd.s32 $0x2710, v25;
	v34 =	vld.idx.msk [tilespmem:v22+s3+$0x0], $0xffff;
	v18 =	vunpack.i.l.bf16.f32 v27  }
0xff: {  	v37 =	vld.idx.msk [tilespmem:v25+s3+$0x0], $0xffff;
	v16 =	vadd.s32 $0x2710, v22;
	v22 =	vadd.s32 $0x4E20, v21;
	v35 =	vmul.f32 v18, v19  }
0x100: {  	v38 =	vadd.s32 $0x2710, v20;
	v62 =	vadd.s32 $0x4E20, v20;
	v15 =	vld.idx.msk [tilespmem:v15+s3+$0x0], $0xffff;
	v27 =	vunpack.i.u.bf16.f32 v27  }
0x101: {  	v13 =	vadd.s32 $0x2710, v12;
	v17 =	vadd.s32 $0x2710, v17;
	[tilespmem:v21+s21+$0x0] =	vst.idx.add.f32.msk $0xffff, v35;
	v21 =	vmul.f32 v27, v19  }
0x102: {  	v25 =	vunpack.i.u.bf16.f32 v28;
	v24 =	vmul.f32 v24, v19;
	v27 =	vunpack.i.l.bf16.f32 v28;
	v19 =	vld.idx.msk [tilespmem:v26+s3+$0x0], $0xffff  }
0x103: {  	v63 =	vunpack.i.l.bf16.f32 v34;
	v18 =	vadd.s32 $0x2710, v14;
	v27 =	vmul.f32 v27, v23;
	[tilespmem:v33+s21+$0x0] =	vst.idx.add.f32.msk $0xffff, v21  }
0x104: {  	v31 =	vmul.f32 v31, v23;
	v26 =	vunpack.i.l.bf16.f32 v29;
	v28 =	vunpack.i.u.bf16.f32 v29;
	[tilespmem:v22+s21+$0x0] =	vst.idx.add.f32.msk $0xffff, v24  }
0x105: {  	v29 =	vmul.f32 v25, v23;
	v25 =	vunpack.i.l.bf16.f32 v32;
	v26 =	vmul.f32 v26, v11;
	[tilespmem:v20+s21+$0x0] =	vst.idx.add.f32.msk $0xffff, v27  }
0x106: {  	v23 =	vunpack.i.u.bf16.f32 v37;
	v21 =	vunpack.i.u.bf16.f32 v32;
	v22 =	vunpack.i.u.bf16.f32 v30;
	v20 =	vld.idx.msk [tilespmem:v36+s3+$0x0], $0xffff  }
0x107: {  	v30 =	vunpack.i.l.bf16.f32 v30;
	v24 =	vunpack.i.u.bf16.f32 v34;
	[tilespmem:v38+s21+$0x0] =	vst.idx.add.f32.msk $0xffff, v29;
	v29 =	vmul.f32 v28, v11  }
0x108: {  	s30 =	simm.s32 $0x0;
	s0 =	simm.s32 $0x18A40;
	v27 =	vunpack.i.l.bf16.f32 v37;
	v28 =	vmul.f32 v63, v4;
	v30 =	vmul.f32 v30, v9;
	[tilespmem:v62+s21+$0x0] =	vst.idx.add.f32.msk $0xffff, v31  }
.LBB2_8:
0x109: {  	s30 =	sadd.s32 $0x8, s30;
	v18 =	vld.idx.msk [tilespmem:v18+s3+$0x0], $0xffff;
	s29 =	sadd.s32 $0x80, s29;
	s28 =	sadd.s32 $0x80, s28  }
0x10a: {  	v22 =	vmul.f32 v22, v9;
	p0 =	slt.u32 s30, $0x268;
	[tilespmem:v12+s21+$0x0] =	vst.idx.add.f32.msk $0xffff, v26  }
0x10b: {  	v15 =	vmul.f32 v15, v8;
	v14 =	vld.idx.msk [tilespmem:v14+s3+$0x0], $0xffff  }
0x10c: {  	v24 =	vmul.f32 v24, v4;
	v12 =	vadd.s32 $0x4E20, v12;
	v16 =	vld.idx.msk [tilespmem:v16+s3+$0x0], $0xffff  }
0x10d: {  	v17 =	vld.idx.msk [tilespmem:v17+s3+$0x0], $0xffff  }
0x10e: {  	v11 =	vmul.f32 v19, v11;
	v26 =	vadd.s32 $0x2710, v3;
	[tilespmem:v13+s21+$0x0] =	vst.idx.add.f32.msk $0xffff, v29  }
0x10f: {  	v13 =	vmul.f32 v25, v8;
	[tilespmem:v10+s21+$0x0] =	vst.idx.add.f32.msk $0xffff, v30  }
0x110: {  	v19 =	vadd.s32 $0x2710, v7;
	v8 =	vmul.f32 v21, v8;
	v21 =	vadd.s32 $0x2710, v10;
	[tilespmem:v5+s21+$0x0] =	vst.idx.add.f32.msk $0xffff, v28  }
0x111: {  	v27 =	vmul.f32 v27, v6;
	v25 =	vunpack.i.u.bf16.f32 v14;
	v14 =	vunpack.i.l.bf16.f32 v14;
	[tilespmem:v12+s21+$0x0] =	vst.idx.add.f32.msk $0xffff, v11  }
0x112: {  	v10 =	vadd.s32 $0x4E20, v10;
	v11 =	vmul.f32 v23, v6;
	[tilespmem:v3+s21+$0x0] =	vst.idx.add.f32.msk $0xffff, v13  }
0x113: {  	v12 =	vadd.s32 $0x4E20, v7;
	v6 =	vmul.f32 v20, v6;
	[tilespmem:v26+s21+$0x0] =	vst.idx.add.f32.msk $0xffff, v8;
	v8 =	vmul.f32 v17, v9  }
0x114: {  	[tilespmem:v7+s21+$0x0] =	vst.idx.add.f32.msk $0xffff, v27;
	v7 =	vadd.s32 $0x2710, v5  }
0x115: {  	v5 =	vadd.s32 $0x4E20, v5;
	[tilespmem:v19+s21+$0x0] =	vst.idx.add.f32.msk $0xffff, v11  }
0x116: {  	[tilespmem:v21+s21+$0x0] =	vst.idx.add.f32.msk $0xffff, v22  }
0x117: {  	v9 =	vadd.s32 $0x2710, v2;
	v11 =	vmul.f32 v18, v1;
	[tilespmem:v10+s21+$0x0] =	vst.idx.add.f32.msk $0xffff, v8  }
0x118: {  	v4 =	vmul.f32 v16, v4;
	v3 =	vadd.s32 $0x4E20, v3;
	v8 =	vadd.s32 $0x4E20, v2;
	[tilespmem:v12+s21+$0x0] =	vst.idx.add.f32.msk $0xffff, v6  }
0x119: {  	v6 =	vmul.f32 v14, v1;
	[tilespmem:v7+s21+$0x0] =	vst.idx.add.f32.msk $0xffff, v24  }
0x11a: {  	v1 =	vmul.f32 v25, v1;
	[tilespmem:v5+s21+$0x0] =	vst.idx.add.f32.msk $0xffff, v4  }
0x11b: {  	[tilespmem:v2+s21+$0x0] =	vst.idx.add.f32.msk $0xffff, v6  }
0x11c: {  	[tilespmem:v9+s21+$0x0] =	vst.idx.add.f32.msk $0xffff, v1  }
0x11d: {  	[tilespmem:v3+s21+$0x0] =	vst.idx.add.f32.msk $0xffff, v15  }
0x11e: {  	[tilespmem:v8+s21+$0x0] =	vst.idx.add.f32.msk $0xffff, v11  }
0x11f: {  	v3 =	vld [tilespmem:s28+$0x0]  }
0x120: {  	v1 =	vld [tilespmem:s0+$0xFFFFFFD0]  }
0x121: {  	v2 =	vld [tilespmem:s28+$0xFFFFFFD0]  }
0x122: {  	v6 =	vld [tilespmem:s0+$0xFFFFFFE0]  }
0x123: {  	v7 =	vld [tilespmem:s28+$0xFFFFFFE0]  }
0x124: {  	v5 =	vld [tilespmem:s28+$0xFFFFFFF0]  }
0x125: {  	v10 =	vld [tilespmem:s28+$0x10]  }
0x126: {  	v8 =	vld [tilespmem:s0+$0x0]  }
0x127: {  	v9 =	vld [tilespmem:s0+$0x10]  }
0x128: {  	v12 =	vld [tilespmem:s28+$0x20]  }
0x129: {  	v4 =	vld [tilespmem:s0+$0xFFFFFFF0]  }
0x12a: {  	v20 =	vld [tilespmem:s28+$0x30]  }
0x12b: {  	v11 =	vld [tilespmem:s0+$0x20]  }
0x12c: {  	v23 =	vld [tilespmem:s0+$0x30]  }
0x12d: {  	v19 =	vld [tilespmem:s0+$0xFFFFFFC0];
	v13 =	vadd.s32 $0x2710, v12  }
0x12e: {  	v21 =	vld [tilespmem:s28+$0xFFFFFFC0]  }
0x12f: {  	v15 =	vld [tilespmem:s29+$0xFFFFFFC0]  }
0x130: {  	v16 =	vld [tilespmem:s29+$0x30]  }
0x131: {  	v17 =	vld [tilespmem:s29+$0x20]  }
0x132: {  	v22 =	vld [tilespmem:s29+$0x10]  }
0x133: {  	v24 =	vld [tilespmem:s29+$0x0]  }
0x134: {  	v18 =	vadd.s32 $0x2710, v15;
	v25 =	vld [tilespmem:s29+$0xFFFFFFF0]  }
0x135: {  	v26 =	vld [tilespmem:s29+$0xFFFFFFE0];
	v27 =	vadd.s32 $0x2710, v16  }
0x136: {  	v14 =	vld [tilespmem:s29+$0xFFFFFFD0];
	v28 =	vadd.s32 $0x2710, v17  }
0x137: {  	v15 =	vld.idx.msk [tilespmem:v15+s3+$0x0], $0xffff  }
0x138: {  	v29 =	vadd.s32 $0x2710, v24;
	v30 =	vld.idx.msk [tilespmem:v16+s3+$0x0], $0xffff  }
0x139: {  	v16 =	vadd.s32 $0x2710, v25;
	v31 =	vld.idx.msk [tilespmem:v17+s3+$0x0], $0xffff  }
0x13a: {  	v32 =	vld.idx.msk [tilespmem:v18+s3+$0x0], $0xffff;
	v33 =	vadd.s32 $0x2710, v26  }
0x13b: {  	v18 =	vadd.s32 $0x2710, v14;
	v34 =	vld.idx.msk [tilespmem:v22+s3+$0x0], $0xffff  }
0x13c: {  	v35 =	vadd.s32 $0x2710, v21;
	v17 =	vadd.s32 $0x2710, v22;
	v27 =	vld.idx.msk [tilespmem:v27+s3+$0x0], $0xffff  }
0x13d: {  	v36 =	vadd.s32 $0x4E20, v21;
	v22 =	vunpack.i.u.bf16.f32 v15;
	v15 =	vunpack.i.l.bf16.f32 v15;
	v24 =	vld.idx.msk [tilespmem:v24+s3+$0x0], $0xffff  }
0x13e: {  	v37 =	vmul.f32 v15, v19;
	v38 =	vld.idx.msk [tilespmem:v25+s3+$0x0], $0xffff;
	v25 =	vunpack.i.u.bf16.f32 v30;
	v30 =	vunpack.i.l.bf16.f32 v30  }
0x13f: {  	v15 =	vld.idx.msk [tilespmem:v29+s3+$0x0], $0xffff;
	v29 =	vunpack.i.u.bf16.f32 v31;
	v31 =	vunpack.i.l.bf16.f32 v31;
	v30 =	vmul.f32 v30, v23  }
0x140: {  	v40 =	vmul.f32 v25, v23;
	v39 =	vld.idx.msk [tilespmem:v26+s3+$0x0], $0xffff;
	v26 =	vmul.f32 v31, v11;
	v31 =	vadd.s32 $0x2710, v20  }
0x141: {  	[tilespmem:v21+s21+$0x0] =	vst.idx.add.f32.msk $0xffff, v37;
	v21 =	vmul.f32 v22, v19;
	v22 =	vunpack.i.u.bf16.f32 v34;
	v34 =	vunpack.i.l.bf16.f32 v34  }
0x142: {  	v32 =	vmul.f32 v32, v19;
	v37 =	vadd.s32 $0x4E20, v20;
	v19 =	vld.idx.msk [tilespmem:v28+s3+$0x0], $0xffff  }
0x143: {  	v25 =	vunpack.i.l.bf16.f32 v24;
	[tilespmem:v35+s21+$0x0] =	vst.idx.add.f32.msk $0xffff, v21;
	v21 =	vunpack.i.u.bf16.f32 v24;
	v35 =	vmul.f32 v27, v23  }
.Ltmp3:
0x144: {  	v29 =	vmul.f32 v29, v11;
	v24 =	vunpack.i.u.bf16.f32 v38;
	v28 =	vunpack.i.l.bf16.f32 v38;
	[tilespmem:v36+s21+$0x0] =	vst.idx.add.f32.msk $0xffff, v32;
	(pc) =	sbr.rel @p0 .LBB2_8-.Ltmp3, $4  }
0x145: {  	[tilespmem:v20+s21+$0x0] =	vst.idx.add.f32.msk $0xffff, v30  }
0x146: {  	v28 =	vmul.f32 v28, v4;
	v23 =	vunpack.i.u.bf16.f32 v39;
	v27 =	vunpack.i.l.bf16.f32 v39;
	[tilespmem:v31+s21+$0x0] =	vst.idx.add.f32.msk $0xffff, v40  }
0x147: {  	v20 =	vld.idx.msk [tilespmem:v33+s3+$0x0], $0xffff  }
0x148: {  	s0 =	sadd.s32 $0x80, s0;
	v30 =	vmul.f32 v34, v9;
	[tilespmem:v37+s21+$0x0] =	vst.idx.add.f32.msk $0xffff, v35  }
0x149: {  	_ =	sdelay $0x3  }
0x14a: {  	v18 =	vld.idx.msk [tilespmem:v18+s3+$0x0], $0xffff  }
0x14b: {  	[tilespmem:v12+s21+$0x0] =	vst.idx.add.f32.msk $0xffff, v26  }
0x14c: {  	v14 =	vld.idx.msk [tilespmem:v14+s3+$0x0], $0xffff  }
0x14d: {  	v16 =	vld.idx.msk [tilespmem:v16+s3+$0x0], $0xffff  }
0x14e: {  	v17 =	vld.idx.msk [tilespmem:v17+s3+$0x0], $0xffff  }
0x14f: {  	v40 =	vadd.s32 $0x4E20, v12;
	[tilespmem:v5+s21+$0x0] =	vst.idx.add.f32.msk $0xffff, v28  }
0x150: {  	v41 =	vadd.s32 $0x2710, v3;
	v42 =	vmul.f32 v25, v8;
	[tilespmem:v13+s21+$0x0] =	vst.idx.add.f32.msk $0xffff, v29  }
0x151: {  	v43 =	vadd.s32 $0x2710, v7;
	v45 =	vmul.f32 v27, v6;
	[tilespmem:v10+s21+$0x0] =	vst.idx.add.f32.msk $0xffff, v30  }
0x152: {  	v11 =	vmul.f32 v19, v11;
	v44 =	vadd.s32 $0x2710, v10;
	[tilespmem:v3+s21+$0x0] =	vst.idx.add.f32.msk $0xffff, v42  }
0x153: {  	v21 =	vmul.f32 v21, v8;
	v50 =	vadd.s32 $0x2710, v5;
	[tilespmem:v7+s21+$0x0] =	vst.idx.add.f32.msk $0xffff, v45  }
0x154: {  	v47 =	vmul.f32 v23, v6;
	v48 =	vadd.s32 $0x4E20, v7;
	[tilespmem:v40+s21+$0x0] =	vst.idx.add.f32.msk $0xffff, v11  }
0x155: {  	v46 =	vadd.s32 $0x4E20, v10;
	v49 =	vmul.f32 v22, v9;
	[tilespmem:v41+s21+$0x0] =	vst.idx.add.f32.msk $0xffff, v21  }
0x156: {  	v52 =	vadd.s32 $0x4E20, v5;
	v54 =	vmul.f32 v24, v4;
	[tilespmem:v43+s21+$0x0] =	vst.idx.add.f32.msk $0xffff, v47  }
0x157: {  	v3 =	vadd.s32 $0x4E20, v3;
	v53 =	vmul.f32 v20, v6;
	[tilespmem:v44+s21+$0x0] =	vst.idx.add.f32.msk $0xffff, v49  }
0x158: {  	v51 =	vmul.f32 v17, v9;
	[tilespmem:v50+s21+$0x0] =	vst.idx.add.f32.msk $0xffff, v54  }
0x159: {  	v55 =	vadd.s32 $0x2710, v2;
	v57 =	vmul.f32 v16, v4;
	[tilespmem:v48+s21+$0x0] =	vst.idx.add.f32.msk $0xffff, v53  }
0x15a: {  	v59 =	vadd.s32 $0x4E20, v2;
	v60 =	vmul.f32 v15, v8;
	v56 =	vunpack.i.l.bf16.f32 v14;
	[tilespmem:v46+s21+$0x0] =	vst.idx.add.f32.msk $0xffff, v51  }
0x15b: {  	v58 =	vunpack.i.u.bf16.f32 v14;
	v9 =	vmul.f32 v56, v1;
	[tilespmem:v52+s21+$0x0] =	vst.idx.add.f32.msk $0xffff, v57  }
0x15c: {  	v6 =	vmul.f32 v58, v1;
	[tilespmem:v3+s21+$0x0] =	vst.idx.add.f32.msk $0xffff, v60  }
0x15d: {  	v1 =	vmul.f32 v18, v1;
	[tilespmem:v2+s21+$0x0] =	vst.idx.add.f32.msk $0xffff, v9  }
0x15e: {  	[tilespmem:v55+s21+$0x0] =	vst.idx.add.f32.msk $0xffff, v6  }
0x15f: {  	[tilespmem:v59+s21+$0x0] =	vst.idx.add.f32.msk $0xffff, v1  }
0x160: {  	v1 =	vld [tilespmem:$0x16180];
	_ =	sdelay $0x5  }
0x161: {  	v2 =	vadd.s32 $0x2710, v1  }
0x162: {  	v3 =	vld [tilespmem:$0x18900]  }
0x163: {  	v1 =	vld.idx.msk [tilespmem:v1+s3+$0x0], $0xffff  }
0x164: {  	v4 =	vld [tilespmem:$0x1B080];
	_ =	sdelay $0x1  }
0x165: {  	v2 =	vld.idx.msk [tilespmem:v2+s3+$0x0], $0xffff  }
0x166: {  	s26 =	sadd.s32 $0x1, s26;
	v61 =	vadd.s32 $0x2710, v3  }
0x167: {  	p0 =	sne.s32 s26, $0x10;
	v63 =	vadd.s32 $0x4E20, v3;
	v62 =	vunpack.i.l.bf16.f32 v1  }
.Ltmp4:
0x168: {  	v1 =	vunpack.i.u.bf16.f32 v1;
	v6 =	vmul.f32 v62, v4;
	(pc) =	sbr.rel @p0 .LBB2_5-.Ltmp4, $4  }
0x169: {  	v1 =	vmul.f32 v1, v4  }
0x16a: {  	v2 =	vmul.f32 v2, v4;
	[tilespmem:v3+s21+$0x0] =	vst.idx.add.f32.msk $0xffff, v6  }
0x16b: {  	[tilespmem:v61+s21+$0x0] =	vst.idx.add.f32.msk $0xffff, v1  }
0x16c: {  	[tilespmem:v63+s21+$0x0] =	vst.idx.add.f32.msk $0xffff, v2  }
0x16d: {  	[hbm4b:s8+s3] =	stream.linear.scatter [tilespmem:s21], [sflag:$0x3], $0x2710, $0x38;
	[tilespmem:$0x1B100] =	vst v63  }
0x16e: {  	_ =	swait.ge [sflag:s15], $0x2710  }
0x16f: {  	[sflag:s15] =	ssyncset.done $0x0  }
0x170: {  	[sflag:s15] =	ssyncadd.s32 $0xFFFFD8F0  }
0x171: {  	[hbm4b:s9+s3] =	stream.linear.scatter [tilespmem:s23], [sflag:$0x3], $0x2710, $0x38;
	[tilespmem:$0x1B100] =	vst v63  }
0x172: {  	s25 =	sadd.s32 $0x1, s25;
	_ =	swait.ge [sflag:s15], $0x2710  }
0x173: {  	p0 =	sne.s32 s25, s11;
	[sflag:s15] =	ssyncset.done $0x0  }
.Ltmp5:
0x174: {  	[sflag:s15] =	ssyncadd.s32 $0xFFFFD8F0;
	(pc) =	sbr.rel @p0 .LBB2_1-.Ltmp5, $4  }
0x175: {  	[hbm4b:s10+s3] =	stream.linear.scatter [tilespmem:s24], [sflag:$0x3], $0x2710, $0x38;
	[tilespmem:$0x1B100] =	vst v63  }
0x176: {  	_ =	swait.ge [sflag:s15], $0x2710  }
0x177: {  	[sflag:s15] =	ssyncset.done $0x0  }
0x178: {  	[sflag:s15] =	ssyncadd.s32 $0xFFFFD8F0  }
0x179: {  	_ =	sfence.sel $0x180000  }
0x17a: {  	[bflag:$0x0] =	sbarrier.arrive $0xFFFF  }
0x17b: {  	_ =	strace $0x9000004A  }
0x17c: {  	[bflag:$0x2] =	sbarrier.arrive $0xFFFF  }
0x17d: {  	p0 =	sne.s32 s1, $0x0;
	s0 =	rddreg [dreg:$0x3]  }
0x17e: {  	s0 =	sadd.s32 @!p0 $0x100000, s0  }
0x17f: {  	[sflag:s0] =	ssyncadd.tile.s32 @!p0 $0x1;
	_ =	shalt  }
.Lfunc_end2:
_tile_overlayer_lowered:
.L_overlay_start_2:
0x180: {  	(tag) =	ssettag $0x2  }
0x181: {  	s0 =	rddreg [dreg:$0x0];
	s2 =	stileid.u32  }
0x182: {  	s1 =	rddreg [dreg:$0x1];
	p0 =	sne.s32 s2, $0x0  }
0x183: {  	s3 =	rddreg [dreg:$0x2];
	[bflag:$0x3] =	sbarrier.arrive $0xFFFF;
	s2 =	simm.s32 @!p0 $0x1C03  }
0x184: {  	[timem:s3], [sflag:s2] =	dma.local @!p0 [hbm:s0], s1  }
0x185: {  	s0 =	simm.s32 @!p0 $0x3  }
0x186: {  	_ =	swait.ge @!p0 [sflag:s0], s1  }
0x187: {  	s1 =	ssub.s32 @!p0 $0x0, s1;
	[sflag:s0] =	ssyncset.done @!p0 $0x0  }
0x188: {  	[sflag:s0] =	ssyncadd.s32 @!p0 s1  }
0x189: {  	[bflag:$0x3] =	sbarrier.arrive $0xFFFF  }
0x18a: {  	_ =	shalt  }

</sc_bundles>
